<compile_context>
chip_gen: v7x
topology: tpu7x:2x2x1
jax: 0.10.2.dev20260603
libtpu: 0.0.44.dev20260713+nightly
codegen_flags: <defaults>
</compile_context>

<pallas_src>
import math

import jax
import jax.numpy as jnp
from jax import lax
from jax.experimental import pallas as pl
from jax.experimental.pallas import tpu as pltpu
from jax.experimental.pallas import tpu_sc as plsc

B, H, W = 64, 64, 64
HW = H * W
G_RATIO = 0.5
TMAX = 0.05
T_STEPS = int(TMAX * HW)
NW = 32
SPW = B // NW
NCHUNK = HW // 16
NGRP = NCHUNK // 16
L = 16
SY, SX = 8, 8
GY, GX = 56, 56
SIDX = SY * W + SX
GIDX = GY * W + GX


def _full_f(x):
    return jnp.full((L,), x, jnp.float32)


def _full_i(x):
    return jnp.full((L,), x, jnp.int32)


def _sqrt_newton(s):
    i = plsc.bitcast(s, jnp.int32)
    y = plsc.bitcast((i >> 1) + 0x1fbd1df5, jnp.float32)
    for _ in range(3):
        y = 0.5 * (y + s / y)
    return jnp.where(s == 0.0, 0.0, y)


def _heur_at(nidx, cost_n):
    nrr = nidx >> 6
    ncc = nidx & (W - 1)
    dy = jnp.abs(nrr - GY).astype(jnp.float32)
    dx = jnp.abs(ncc - GX).astype(jnp.float32)
    hh = (dy + dx) - jnp.minimum(dy, dx)
    euc = _sqrt_newton(dy * dy + dx * dx)
    return (hh + 0.001 * euc) + cost_n


def _sc_astar_body(cost_hbm, hist_hbm, path_hbm, *scr):
    i32 = jnp.int32
    wid = lax.axis_index("s") * 2 + lax.axis_index("c")
    io = lax.iota(i32, L)
    lane0 = io == 0
    lane15 = io == L - 1
    ones_f = _full_f(1.0)
    ones_i = _full_i(1)
    zeros_f = _full_f(0.0)

    names = ("cost", "k", "g", "hist", "par", "path", "cmax", "cmax2")
    per = len(names)
    states = [dict(zip(names, scr[i * per:(i + 1) * per])) for i in range(SPW)]
    sem = scr[SPW * per]

    samples = [wid * SPW + i for i in range(SPW)]
    cost_cps = [pltpu.async_copy(cost_hbm.at[samples[i]], st["cost"], sem)
                for i, st in enumerate(states)]

    gidx_v = _full_i(GIDX)

    zeros_i = _full_i(0)

    def init_body(j, _):
        for jj in range(4):
            s = pl.ds((j * 4 + jj) * L, L)
            for st in states:
                st["k"][s] = zeros_f
                st["g"][s] = zeros_f
                st["hist"][s] = zeros_f
                st["path"][s] = zeros_i
                st["par"][s] = gidx_v
        return 0

    lax.fori_loop(0, NCHUNK // 4, init_body, 0)

    for j in range(NGRP):
        for st in states:
            st["cmax"][pl.ds(j * L, L)] = zeros_f
    for st in states:
        st["cmax2"][pl.ds(0, L)] = zeros_f

    for cp in cost_cps:
        cp.wait()

    sidx_v = _full_i(SIDX)
    for st in states:
        cost_s = plsc.load_gather(st["cost"], [sidx_v])
        hv = _heur_at(sidx_v, cost_s)
        vv = jnp.exp(-(G_RATIO * 0.0 + (1.0 - G_RATIO) * hv) / math.sqrt(W))
        plsc.store_scatter(st["k"], [sidx_v], vv, mask=lane0)
        plsc.store_scatter(st["g"], [sidx_v], cost_s, mask=lane0)
        plsc.store_scatter(st["cmax"], [_full_i(SIDX >> 4)], vv, mask=lane0)
        plsc.store_scatter(st["cmax2"], [_full_i(SIDX >> 8)], vv, mask=lane0)

    dr = io // 3 - 1
    dc = io % 3 - 1
    nb_ok = (io < 9) & (io != 4)
    dlin = dr * W + dc

    def step_body(t, _):
        n = len(states)
        c2 = [st["cmax2"][pl.ds(0, L)] for st in states]
        mv = [_full_f(jnp.max(c2[i])) for i in range(n)]
        gq = [plsc.all_reduce_ffs(c2[i] == mv[i]) for i in range(n)]
        grp = [plsc.load_gather(states[i]["cmax"], [gq[i] * L + io]) for i in range(n)]
        qv = [gq[i] * L + plsc.all_reduce_ffs(grp[i] == mv[i]) for i in range(n)]
        chunk = [plsc.load_gather(states[i]["k"], [qv[i] * L + io]) for i in range(n)]
        idxv = [qv[i] * L + plsc.all_reduce_ffs(chunk[i] == mv[i]) for i in range(n)]

        rv = [idxv[i] >> 6 for i in range(n)]
        cv = [idxv[i] & (W - 1) for i in range(n)]
        for i, st in enumerate(states):
            plsc.store_scatter(st["hist"], [idxv[i]], ones_f, mask=lane0)
            plsc.store_scatter(st["k"], [idxv[i]],
                               jnp.where(idxv[i] == gidx_v, mv[i], -1.0), mask=lane0)
        gval = [plsc.load_gather(states[i]["g"], [idxv[i]]) for i in range(n)]

        valid = [nb_ok & (rv[i] + dr >= 0) & (rv[i] + dr <= H - 1) &
                 (cv[i] + dc >= 0) & (cv[i] + dc <= W - 1) for i in range(n)]
        nidx = [jnp.where(valid[i], idxv[i] + dlin, idxv[i]) for i in range(n)]
        kn = [plsc.load_gather(states[i]["k"], [nidx[i]]) for i in range(n)]
        cn = [plsc.load_gather(states[i]["cost"], [nidx[i]]) for i in range(n)]
        elig = [valid[i] & (kn[i] == 0.0) for i in range(n)]
        un = [_heur_at(nidx[i], cn[i]) for i in range(n)]
        vn = [jnp.exp(-(G_RATIO * gval[i] + (1.0 - G_RATIO) * un[i]) / math.sqrt(W))
              for i in range(n)]
        for i, st in enumerate(states):
            plsc.store_scatter(st["g"], [nidx[i]], gval[i] + cn[i], mask=elig[i])
            plsc.store_scatter(st["par"], [nidx[i]], idxv[i], mask=elig[i])
            plsc.store_scatter(st["k"], [nidx[i]], vn[i], mask=elig[i])

        nq = [nidx[i] >> 4 for i in range(n)]
        for dcv in (-1, 0, 1):
            cm_old = [plsc.load_gather(states[i]["cmax"], [nq[i]]) for i in range(n)]
            for i, st in enumerate(states):
                plsc.store_scatter(st["cmax"], [nq[i]],
                                   jnp.maximum(cm_old[i], vn[i]),
                                   mask=elig[i] & (dc == dcv))
        chunk2 = [plsc.load_gather(states[i]["k"], [qv[i] * L + io]) for i in range(n)]
        cm2 = [plsc.cummax(chunk2[i]) for i in range(n)]
        for i, st in enumerate(states):
            plsc.store_scatter(st["cmax"], [qv[i]], cm2[i], mask=lane15)
        gsp = []
        for i in range(n):
            rl = jnp.maximum(rv[i] - 1, 0)
            rh = jnp.minimum(rv[i] + 1, H - 1)
            qa = (jnp.maximum(cv[i] - 1, 0) >> 4) + rl * (W // L)
            qb = (jnp.minimum(cv[i] + 1, W - 1) >> 4) + rh * (W // L)
            gsp.append((qa >> 4, qb >> 4))
        for which in (0, 1):
            gvals = [plsc.load_gather(states[i]["cmax"], [gsp[i][which] * L + io])
                     for i in range(n)]
            gm = [plsc.cummax(gvals[i]) for i in range(n)]
            for i, st in enumerate(states):
                plsc.store_scatter(st["cmax2"], [gsp[i][which]], gm[i], mask=lane15)
        return 0

    lax.fori_loop(0, T_STEPS, step_body, 0)

    for st in states:
        plsc.store_scatter(st["path"], [gidx_v], ones_i, mask=lane0)

    def back_body(t, locs):
        out = []
        for i, st in enumerate(states):
            locv = locs[i]
            plsc.store_scatter(st["path"], [locv], ones_i, mask=lane0)
            out.append(plsc.load_gather(st["par"], [locv]))
        return tuple(out)

    locs0 = tuple(plsc.load_gather(states[i]["par"], [gidx_v]) for i in range(SPW))
    lax.fori_loop(0, T_STEPS, back_body, locs0)

    out_cps = []
    for i, st in enumerate(states):
        out_cps.append(pltpu.async_copy(st["hist"], hist_hbm.at[samples[i]], sem))
        out_cps.append(pltpu.async_copy(st["path"], path_hbm.at[samples[i]], sem))
    for cp in out_cps:
        cp.wait()


def _sc_astar(cost):
    scratch = []
    for _ in range(SPW):
        scratch += [
            pltpu.VMEM((HW,), jnp.float32),
            pltpu.VMEM((HW,), jnp.float32),
            pltpu.VMEM((HW,), jnp.float32),
            pltpu.VMEM((HW,), jnp.float32),
            pltpu.VMEM((HW,), jnp.int32),
            pltpu.VMEM((HW,), jnp.int32),
            pltpu.VMEM((NCHUNK,), jnp.float32),
            pltpu.VMEM((L,), jnp.float32),
        ]
    scratch.append(pltpu.SemaphoreType.DMA)
    run = pl.kernel(
        _sc_astar_body,
        out_type=[jax.ShapeDtypeStruct((B, HW), jnp.float32),
                  jax.ShapeDtypeStruct((B, HW), jnp.int32)],
        mesh=plsc.VectorSubcoreMesh(core_axis_name="c", subcore_axis_name="s"),
        scratch_types=scratch,
        compiler_params=pltpu.CompilerParams(needs_layout_passes=False),
    )
    return run(cost)


def kernel(cost_maps, start_maps, goal_maps, obstacles_maps):
    hist, path = _sc_astar(cost_maps.reshape(B, HW))
    return hist.reshape(B, H, W), path.reshape(B, H, W)

# --- scband reference (transcript-rebuilt; emitter-appended) ---
"""Pipeline reference for scband-differentiable-astar-13271448945030 (READ-ONLY COPY).

The authoritative reference and input builder live on the scoring server;
editing this copy changes nothing except your own understanding.
"""

import jax, jax.numpy as jnp
import numpy as np
import math

B, H, W = 64, 64, 64
G_RATIO = 0.5
TMAX = 0.05

def _make_neighbor_filter():
    nf = jnp.ones((3, 3), dtype=jnp.float32)
    nf = nf.at[1, 1].set(0.0)
    return nf

def _expand(x, nf):
    y = jax.lax.conv_general_dilated(x[:, None], nf[None, None], (1, 1), 'SAME')
    return y[:, 0]

def _st_softmax_noexp(val):
    b = val.shape[0]
    v = val.reshape(b, -1)
    y = v / v.sum(-1, keepdims=True)
    ind = jnp.argmax(y, -1)
    y_hard = jnp.zeros_like(y).at[jnp.arange(b), ind].set(1.0)
    out = jax.lax.stop_gradient(y_hard - y) + y
    return out.reshape(val.shape)

def _get_heuristic(goal_maps, tb_factor=0.001):
    b, h, w = goal_maps.shape
    gy, gx = jnp.meshgrid(jnp.arange(h), jnp.arange(w), indexing='ij')
    loc = jnp.stack([gy, gx], 0).astype(goal_maps.dtype)
    loc_expand = loc.reshape(2, -1)[None]
    goal_loc = jnp.einsum('kij,bij->bk', loc, goal_maps)
    d = loc_expand - goal_loc[:, :, None]
    dxdy = jnp.abs(d)
    hh = dxdy.sum(1) - dxdy.min(1)
    euc = jnp.sqrt((d ** 2).sum(1))
    return (hh + tb_factor * euc).reshape(goal_maps.shape)

def setup_inputs(seed: int = 0):
    key = jax.random.key(seed)
    cost_maps = jax.random.uniform(key, (B, H, W), dtype=jnp.float32)
    start_maps = jnp.zeros((B, H, W), dtype=jnp.float32).at[:, 8, 8].set(1.0)
    goal_maps = jnp.zeros((B, H, W), dtype=jnp.float32).at[:, 56, 56].set(1.0)
    obstacles_maps = jnp.ones((B, H, W), dtype=jnp.float32)
    return {"cost_maps": cost_maps, "start_maps": start_maps, "goal_maps": goal_maps, "obstacles_maps": obstacles_maps}

def _astar_core(cost_maps, start_maps, goal_maps, obstacles_maps):
    b, h, w = cost_maps.shape
    nf = _make_neighbor_filter()
    heur = _get_heuristic(goal_maps) + cost_maps
    g = jnp.zeros_like(start_maps)
    open_maps = start_maps
    histories = jnp.zeros_like(start_maps)
    parents = jnp.ones((b, h * w), dtype=jnp.float32) * jnp.argmax(goal_maps.reshape(b, -1), -1)[:, None].astype(jnp.float32)
    T = int(TMAX * h * w)
    for t in range(T):
        f = G_RATIO * g + (1.0 - G_RATIO) * heur
        f_exp = jnp.exp(-f / math.sqrt(w)) * open_maps
        selected = _st_softmax_noexp(f_exp)
        dist_to_goal = (selected * goal_maps).sum((1, 2), keepdims=True)
        is_unsolved = (dist_to_goal < 1e-8).astype(jnp.float32)
        histories = jnp.clip(histories + selected, 0.0, 1.0)
        open_maps = jnp.clip(open_maps - is_unsolved * selected, 0.0, 1.0)
        neighbor_nodes = _expand(selected, nf) * obstacles_maps
        g2 = _expand((g + cost_maps) * selected, nf)
        idx = jax.lax.stop_gradient((1.0 - open_maps) * (1.0 - histories) * neighbor_nodes)
        g = jax.lax.stop_gradient(g2 * idx + g * (1.0 - idx))
        open_maps = jax.lax.stop_gradient(jnp.clip(open_maps + idx, 0.0, 1.0))
        idxf = idx.reshape(b, -1)
        snm = selected.reshape(b, -1)
        new_parents = jnp.argmax(snm, -1)[:, None].astype(jnp.float32)
        parents = new_parents * idxf + parents * (1.0 - idxf)
    return histories, parents, T

def _backtrack(start_maps, goal_maps, parents, T):
    b, h, w = start_maps.shape
    parents_i = jax.lax.stop_gradient(parents).astype(jnp.int32)
    goal_flat = goal_maps.astype(jnp.int32).reshape(b, -1)
    path_maps = goal_flat
    loc = (parents_i * goal_flat).sum(-1)
    bi = jnp.arange(b)
    for _ in range(T):
        path_maps = path_maps.at[bi, loc].set(1)
        loc = parents_i[bi, loc]
    return path_maps.reshape(b, h, w)

def reference(cost_maps, start_maps, goal_maps, obstacles_maps):
    histories, parents, T = _astar_core(cost_maps, start_maps, goal_maps, obstacles_maps)
    paths = _backtrack(start_maps, goal_maps, parents, T)
    return histories, paths

if __name__ == "__main__":
    import jax
    _d = setup_inputs()
    print(jax.jit(kernel)(*tuple(_d.values())))

</pallas_src>

<mosaic_0001>
#map = affine_map<(d0, d1) -> (0, 0)>
module attributes {stable_mosaic.version = 14 : i64} {
  func.func @_sc_astar_body(%arg0: i32, %arg1: i32, %arg2: memref<64x4096xf32, #tpu.memory_space<hbm>>, %arg3: memref<64x4096xf32, #tpu.memory_space<hbm>>, %arg4: memref<64x4096xi32, #tpu.memory_space<hbm>>, %arg5: memref<4096xf32, #tpu.memory_space<vmem>>, %arg6: memref<4096xf32, #tpu.memory_space<vmem>>, %arg7: memref<4096xf32, #tpu.memory_space<vmem>>, %arg8: memref<4096xf32, #tpu.memory_space<vmem>>, %arg9: memref<4096xi32, #tpu.memory_space<vmem>>, %arg10: memref<4096xi32, #tpu.memory_space<vmem>>, %arg11: memref<256xf32, #tpu.memory_space<vmem>>, %arg12: memref<16xf32, #tpu.memory_space<vmem>>, %arg13: memref<4096xf32, #tpu.memory_space<vmem>>, %arg14: memref<4096xf32, #tpu.memory_space<vmem>>, %arg15: memref<4096xf32, #tpu.memory_space<vmem>>, %arg16: memref<4096xf32, #tpu.memory_space<vmem>>, %arg17: memref<4096xi32, #tpu.memory_space<vmem>>, %arg18: memref<4096xi32, #tpu.memory_space<vmem>>, %arg19: memref<256xf32, #tpu.memory_space<vmem>>, %arg20: memref<16xf32, #tpu.memory_space<vmem>>, %arg21: memref<!tpu.dma_semaphore, #tpu.memory_space<semaphore_mem>>) attributes {dimension_semantics = [#tpu.dimension_semantics<core_parallel>, #tpu.dimension_semantics<subcore_parallel>], iteration_bounds = array<i64: 2, 16>, scalar_prefetch = 0 : i64, scratch_operands = 17 : i64, tpu.core_type = #tpu.core_type<sc_vector_subcore>, window_params = [{transform_indices = #map}, {transform_indices = #map}, {transform_indices = #map}]} {
    %mul3A = arith.constant 2 : i32
    %mul3A_0 = arith.muli %arg1, %mul3A : i32
    %add3A = arith.addi %mul3A_0, %arg0 : i32
    %iota3A = tpu.iota {dimensions = array<i32: 0>} : vector<16xi32>
    %eq3A = arith.constant 0 : i32
    %eq3A_1 = vector.broadcast %eq3A : i32 to vector<16xi32>
    %eq3A_2 = arith.cmpi eq, %iota3A, %eq3A_1 : vector<16xi32>
    %eq3A_3 = arith.constant 15 : i32
    %eq3A_4 = vector.broadcast %eq3A_3 : i32 to vector<16xi32>
    %eq3A_5 = arith.cmpi eq, %iota3A, %eq3A_4 : vector<16xi32>
    %broadcast_in_dim3A = arith.constant 1.000000e+00 : f32
    %broadcast_in_dim3A_6 = vector.broadcast %broadcast_in_dim3A : f32 to vector<16xf32>
    %broadcast_in_dim3A_7 = arith.constant 1 : i32
    %broadcast_in_dim3A_8 = vector.broadcast %broadcast_in_dim3A_7 : i32 to vector<16xi32>
    %broadcast_in_dim3A_9 = arith.constant 0.000000e+00 : f32
    %broadcast_in_dim3A_10 = vector.broadcast %broadcast_in_dim3A_9 : f32 to vector<16xf32>
    %mul3A_11 = arith.constant 2 : i32
    %mul3A_12 = arith.muli %add3A, %mul3A_11 : i32
    %add3A_13 = arith.constant 0 : i32
    %add3A_14 = arith.addi %mul3A_12, %add3A_13 : i32
    %mul3A_15 = arith.constant 2 : i32
    %mul3A_16 = arith.muli %add3A, %mul3A_15 : i32
    %add3A_17 = arith.constant 1 : i32
    %add3A_18 = arith.addi %mul3A_16, %add3A_17 : i32
    %dma_start3A = arith.constant 0 : i32
    %dma_start3A_19 = tpu.memref_slice %arg2[%add3A_14, %dma_start3A] : memref<64x4096xf32, #tpu.memory_space<hbm>> -> memref<1x4096xf32, #tpu.memory_space<hbm>>
    %dma_start3A_20 = tpu.memref_squeeze %dma_start3A_19 : memref<1x4096xf32, #tpu.memory_space<hbm>> -> memref<4096xf32, #tpu.memory_space<hbm>>
    %dma_start3A_21 = arith.constant 0 : i32
    %dma_start3A_22 = tpu.memref_slice %arg2[%add3A_14, %dma_start3A_21] : memref<64x4096xf32, #tpu.memory_space<hbm>> -> memref<1x4096xf32, #tpu.memory_space<hbm>>
    %dma_start3A_23 = tpu.memref_squeeze %dma_start3A_22 : memref<1x4096xf32, #tpu.memory_space<hbm>> -> memref<4096xf32, #tpu.memory_space<hbm>>
    tpu.enqueue_dma source(%dma_start3A_23 : memref<4096xf32, #tpu.memory_space<hbm>>) target(%arg5 : memref<4096xf32, #tpu.memory_space<vmem>>) target_semaphore(%arg21 : memref<!tpu.dma_semaphore, #tpu.memory_space<semaphore_mem>>)
    %dma_start3A_24 = arith.constant 0 : i32
    %dma_start3A_25 = tpu.memref_slice %arg2[%add3A_18, %dma_start3A_24] : memref<64x4096xf32, #tpu.memory_space<hbm>> -> memref<1x4096xf32, #tpu.memory_space<hbm>>
    %dma_start3A_26 = tpu.memref_squeeze %dma_start3A_25 : memref<1x4096xf32, #tpu.memory_space<hbm>> -> memref<4096xf32, #tpu.memory_space<hbm>>
    %dma_start3A_27 = arith.constant 0 : i32
    %dma_start3A_28 = tpu.memref_slice %arg2[%add3A_18, %dma_start3A_27] : memref<64x4096xf32, #tpu.memory_space<hbm>> -> memref<1x4096xf32, #tpu.memory_space<hbm>>
    %dma_start3A_29 = tpu.memref_squeeze %dma_start3A_28 : memref<1x4096xf32, #tpu.memory_space<hbm>> -> memref<4096xf32, #tpu.memory_space<hbm>>
    tpu.enqueue_dma source(%dma_start3A_29 : memref<4096xf32, #tpu.memory_space<hbm>>) target(%arg13 : memref<4096xf32, #tpu.memory_space<vmem>>) target_semaphore(%arg21 : memref<!tpu.dma_semaphore, #tpu.memory_space<semaphore_mem>>)
    %broadcast_in_dim3A_30 = arith.constant 3640 : i32
    %broadcast_in_dim3A_31 = vector.broadcast %broadcast_in_dim3A_30 : i32 to vector<16xi32>
    %broadcast_in_dim3A_32 = arith.constant 0 : i32
    %broadcast_in_dim3A_33 = vector.broadcast %broadcast_in_dim3A_32 : i32 to vector<16xi32>
    %scan3A = arith.constant 0 : i32
    %scan3A_34 = arith.constant 0 : i32
    %scan3A_35 = arith.constant 64 : i32
    %scan3A_36 = arith.addi %scan3A_34, %scan3A_35 : i32
    %scan3A_37 = arith.constant 1 : i32
    %scan3A_38 = scf.for %scan3A_384 = %scan3A_34 to %scan3A_36 step %scan3A_37 iter_args(%scan3A_385 = %scan3A) -> (i32)  : i32 {
      %mul3A_386 = arith.constant 4 : i32
      %mul3A_387 = arith.muli %scan3A_384, %mul3A_386 : i32
      %add3A_388 = arith.constant 0 : i32
      %add3A_389 = arith.addi %mul3A_387, %add3A_388 : i32
      %mul3A_390 = arith.constant 16 : i32
      %mul3A_391 = arith.muli %add3A_389, %mul3A_390 : i32
      %swap3A_392 = arith.index_cast %mul3A_391 : i32 to index
      %swap3A_393 = tpu.vector_load %arg6[%swap3A_392] {strides = array<i32>} : memref<4096xf32, #tpu.memory_space<vmem>>, vector<16xf32>,
      tpu.vector_store %arg6[%swap3A_392], %broadcast_in_dim3A_10 {strides = array<i32>} : memref<4096xf32, #tpu.memory_space<vmem>>, vector<16xf32>,
      %swap3A_394 = arith.index_cast %mul3A_391 : i32 to index
      %swap3A_395 = tpu.vector_load %arg7[%swap3A_394] {strides = array<i32>} : memref<4096xf32, #tpu.memory_space<vmem>>, vector<16xf32>,
      tpu.vector_store %arg7[%swap3A_394], %broadcast_in_dim3A_10 {strides = array<i32>} : memref<4096xf32, #tpu.memory_space<vmem>>, vector<16xf32>,
      %swap3A_396 = arith.index_cast %mul3A_391 : i32 to index
      %swap3A_397 = tpu.vector_load %arg8[%swap3A_396] {strides = array<i32>} : memref<4096xf32, #tpu.memory_space<vmem>>, vector<16xf32>,
      tpu.vector_store %arg8[%swap3A_396], %broadcast_in_dim3A_10 {strides = array<i32>} : memref<4096xf32, #tpu.memory_space<vmem>>, vector<16xf32>,
      %swap3A_398 = arith.index_cast %mul3A_391 : i32 to index
      %swap3A_399 = tpu.vector_load %arg10[%swap3A_398] {strides = array<i32>} : memref<4096xi32, #tpu.memory_space<vmem>>, vector<16xi32>,
      tpu.vector_store %arg10[%swap3A_398], %broadcast_in_dim3A_33 {strides = array<i32>} : memref<4096xi32, #tpu.memory_space<vmem>>, vector<16xi32>,
      %swap3A_400 = arith.index_cast %mul3A_391 : i32 to index
      %swap3A_401 = tpu.vector_load %arg9[%swap3A_400] {strides = array<i32>} : memref<4096xi32, #tpu.memory_space<vmem>>, vector<16xi32>,
      tpu.vector_store %arg9[%swap3A_400], %broadcast_in_dim3A_31 {strides = array<i32>} : memref<4096xi32, #tpu.memory_space<vmem>>, vector<16xi32>,
      %swap3A_402 = arith.index_cast %mul3A_391 : i32 to index
      %swap3A_403 = tpu.vector_load %arg14[%swap3A_402] {strides = array<i32>} : memref<4096xf32, #tpu.memory_space<vmem>>, vector<16xf32>,
      tpu.vector_store %arg14[%swap3A_402], %broadcast_in_dim3A_10 {strides = array<i32>} : memref<4096xf32, #tpu.memory_space<vmem>>, vector<16xf32>,
      %swap3A_404 = arith.index_cast %mul3A_391 : i32 to index
      %swap3A_405 = tpu.vector_load %arg15[%swap3A_404] {strides = array<i32>} : memref<4096xf32, #tpu.memory_space<vmem>>, vector<16xf32>,
      tpu.vector_store %arg15[%swap3A_404], %broadcast_in_dim3A_10 {strides = array<i32>} : memref<4096xf32, #tpu.memory_space<vmem>>, vector<16xf32>,
      %swap3A_406 = arith.index_cast %mul3A_391 : i32 to index
      %swap3A_407 = tpu.vector_load %arg16[%swap3A_406] {strides = array<i32>} : memref<4096xf32, #tpu.memory_space<vmem>>, vector<16xf32>,
      tpu.vector_store %arg16[%swap3A_406], %broadcast_in_dim3A_10 {strides = array<i32>} : memref<4096xf32, #tpu.memory_space<vmem>>, vector<16xf32>,
      %swap3A_408 = arith.index_cast %mul3A_391 : i32 to index
      %swap3A_409 = tpu.vector_load %arg18[%swap3A_408] {strides = array<i32>} : memref<4096xi32, #tpu.memory_space<vmem>>, vector<16xi32>,
      tpu.vector_store %arg18[%swap3A_408], %broadcast_in_dim3A_33 {strides = array<i32>} : memref<4096xi32, #tpu.memory_space<vmem>>, vector<16xi32>,
      %swap3A_410 = arith.index_cast %mul3A_391 : i32 to index
      %swap3A_411 = tpu.vector_load %arg17[%swap3A_410] {strides = array<i32>} : memref<4096xi32, #tpu.memory_space<vmem>>, vector<16xi32>,
      tpu.vector_store %arg17[%swap3A_410], %broadcast_in_dim3A_31 {strides = array<i32>} : memref<4096xi32, #tpu.memory_space<vmem>>, vector<16xi32>,
      %mul3A_412 = arith.constant 4 : i32
      %mul3A_413 = arith.muli %scan3A_384, %mul3A_412 : i32
      %add3A_414 = arith.constant 1 : i32
      %add3A_415 = arith.addi %mul3A_413, %add3A_414 : i32
      %mul3A_416 = arith.constant 16 : i32
      %mul3A_417 = arith.muli %add3A_415, %mul3A_416 : i32
      %swap3A_418 = arith.index_cast %mul3A_417 : i32 to index
      %swap3A_419 = tpu.vector_load %arg6[%swap3A_418] {strides = array<i32>} : memref<4096xf32, #tpu.memory_space<vmem>>, vector<16xf32>,
      tpu.vector_store %arg6[%swap3A_418], %broadcast_in_dim3A_10 {strides = array<i32>} : memref<4096xf32, #tpu.memory_space<vmem>>, vector<16xf32>,
      %swap3A_420 = arith.index_cast %mul3A_417 : i32 to index
      %swap3A_421 = tpu.vector_load %arg7[%swap3A_420] {strides = array<i32>} : memref<4096xf32, #tpu.memory_space<vmem>>, vector<16xf32>,
      tpu.vector_store %arg7[%swap3A_420], %broadcast_in_dim3A_10 {strides = array<i32>} : memref<4096xf32, #tpu.memory_space<vmem>>, vector<16xf32>,
      %swap3A_422 = arith.index_cast %mul3A_417 : i32 to index
      %swap3A_423 = tpu.vector_load %arg8[%swap3A_422] {strides = array<i32>} : memref<4096xf32, #tpu.memory_space<vmem>>, vector<16xf32>,
      tpu.vector_store %arg8[%swap3A_422], %broadcast_in_dim3A_10 {strides = array<i32>} : memref<4096xf32, #tpu.memory_space<vmem>>, vector<16xf32>,
      %swap3A_424 = arith.index_cast %mul3A_417 : i32 to index
      %swap3A_425 = tpu.vector_load %arg10[%swap3A_424] {strides = array<i32>} : memref<4096xi32, #tpu.memory_space<vmem>>, vector<16xi32>,
      tpu.vector_store %arg10[%swap3A_424], %broadcast_in_dim3A_33 {strides = array<i32>} : memref<4096xi32, #tpu.memory_space<vmem>>, vector<16xi32>,
      %swap3A_426 = arith.index_cast %mul3A_417 : i32 to index
      %swap3A_427 = tpu.vector_load %arg9[%swap3A_426] {strides = array<i32>} : memref<4096xi32, #tpu.memory_space<vmem>>, vector<16xi32>,
      tpu.vector_store %arg9[%swap3A_426], %broadcast_in_dim3A_31 {strides = array<i32>} : memref<4096xi32, #tpu.memory_space<vmem>>, vector<16xi32>,
      %swap3A_428 = arith.index_cast %mul3A_417 : i32 to index
      %swap3A_429 = tpu.vector_load %arg14[%swap3A_428] {strides = array<i32>} : memref<4096xf32, #tpu.memory_space<vmem>>, vector<16xf32>,
      tpu.vector_store %arg14[%swap3A_428], %broadcast_in_dim3A_10 {strides = array<i32>} : memref<4096xf32, #tpu.memory_space<vmem>>, vector<16xf32>,
      %swap3A_430 = arith.index_cast %mul3A_417 : i32 to index
      %swap3A_431 = tpu.vector_load %arg15[%swap3A_430] {strides = array<i32>} : memref<4096xf32, #tpu.memory_space<vmem>>, vector<16xf32>,
      tpu.vector_store %arg15[%swap3A_430], %broadcast_in_dim3A_10 {strides = array<i32>} : memref<4096xf32, #tpu.memory_space<vmem>>, vector<16xf32>,
      %swap3A_432 = arith.index_cast %mul3A_417 : i32 to index
      %swap3A_433 = tpu.vector_load %arg16[%swap3A_432] {strides = array<i32>} : memref<4096xf32, #tpu.memory_space<vmem>>, vector<16xf32>,
      tpu.vector_store %arg16[%swap3A_432], %broadcast_in_dim3A_10 {strides = array<i32>} : memref<4096xf32, #tpu.memory_space<vmem>>, vector<16xf32>,
      %swap3A_434 = arith.index_cast %mul3A_417 : i32 to index
      %swap3A_435 = tpu.vector_load %arg18[%swap3A_434] {strides = array<i32>} : memref<4096xi32, #tpu.memory_space<vmem>>, vector<16xi32>,
      tpu.vector_store %arg18[%swap3A_434], %broadcast_in_dim3A_33 {strides = array<i32>} : memref<4096xi32, #tpu.memory_space<vmem>>, vector<16xi32>,
      %swap3A_436 = arith.index_cast %mul3A_417 : i32 to index
      %swap3A_437 = tpu.vector_load %arg17[%swap3A_436] {strides = array<i32>} : memref<4096xi32, #tpu.memory_space<vmem>>, vector<16xi32>,
      tpu.vector_store %arg17[%swap3A_436], %broadcast_in_dim3A_31 {strides = array<i32>} : memref<4096xi32, #tpu.memory_space<vmem>>, vector<16xi32>,
      %mul3A_438 = arith.constant 4 : i32
      %mul3A_439 = arith.muli %scan3A_384, %mul3A_438 : i32
      %add3A_440 = arith.constant 2 : i32
      %add3A_441 = arith.addi %mul3A_439, %add3A_440 : i32
      %mul3A_442 = arith.constant 16 : i32
      %mul3A_443 = arith.muli %add3A_441, %mul3A_442 : i32
      %swap3A_444 = arith.index_cast %mul3A_443 : i32 to index
      %swap3A_445 = tpu.vector_load %arg6[%swap3A_444] {strides = array<i32>} : memref<4096xf32, #tpu.memory_space<vmem>>, vector<16xf32>,
      tpu.vector_store %arg6[%swap3A_444], %broadcast_in_dim3A_10 {strides = array<i32>} : memref<4096xf32, #tpu.memory_space<vmem>>, vector<16xf32>,
      %swap3A_446 = arith.index_cast %mul3A_443 : i32 to index
      %swap3A_447 = tpu.vector_load %arg7[%swap3A_446] {strides = array<i32>} : memref<4096xf32, #tpu.memory_space<vmem>>, vector<16xf32>,
      tpu.vector_store %arg7[%swap3A_446], %broadcast_in_dim3A_10 {strides = array<i32>} : memref<4096xf32, #tpu.memory_space<vmem>>, vector<16xf32>,
      %swap3A_448 = arith.index_cast %mul3A_443 : i32 to index
      %swap3A_449 = tpu.vector_load %arg8[%swap3A_448] {strides = array<i32>} : memref<4096xf32, #tpu.memory_space<vmem>>, vector<16xf32>,
      tpu.vector_store %arg8[%swap3A_448], %broadcast_in_dim3A_10 {strides = array<i32>} : memref<4096xf32, #tpu.memory_space<vmem>>, vector<16xf32>,
      %swap3A_450 = arith.index_cast %mul3A_443 : i32 to index
      %swap3A_451 = tpu.vector_load %arg10[%swap3A_450] {strides = array<i32>} : memref<4096xi32, #tpu.memory_space<vmem>>, vector<16xi32>,
      tpu.vector_store %arg10[%swap3A_450], %broadcast_in_dim3A_33 {strides = array<i32>} : memref<4096xi32, #tpu.memory_space<vmem>>, vector<16xi32>,
      %swap3A_452 = arith.index_cast %mul3A_443 : i32 to index
      %swap3A_453 = tpu.vector_load %arg9[%swap3A_452] {strides = array<i32>} : memref<4096xi32, #tpu.memory_space<vmem>>, vector<16xi32>,
      tpu.vector_store %arg9[%swap3A_452], %broadcast_in_dim3A_31 {strides = array<i32>} : memref<4096xi32, #tpu.memory_space<vmem>>, vector<16xi32>,
      %swap3A_454 = arith.index_cast %mul3A_443 : i32 to index
      %swap3A_455 = tpu.vector_load %arg14[%swap3A_454] {strides = array<i32>} : memref<4096xf32, #tpu.memory_space<vmem>>, vector<16xf32>,
      tpu.vector_store %arg14[%swap3A_454], %broadcast_in_dim3A_10 {strides = array<i32>} : memref<4096xf32, #tpu.memory_space<vmem>>, vector<16xf32>,
      %swap3A_456 = arith.index_cast %mul3A_443 : i32 to index
      %swap3A_457 = tpu.vector_load %arg15[%swap3A_456] {strides = array<i32>} : memref<4096xf32, #tpu.memory_space<vmem>>, vector<16xf32>,
      tpu.vector_store %arg15[%swap3A_456], %broadcast_in_dim3A_10 {strides = array<i32>} : memref<4096xf32, #tpu.memory_space<vmem>>, vector<16xf32>,
      %swap3A_458 = arith.index_cast %mul3A_443 : i32 to index
      %swap3A_459 = tpu.vector_load %arg16[%swap3A_458] {strides = array<i32>} : memref<4096xf32, #tpu.memory_space<vmem>>, vector<16xf32>,
      tpu.vector_store %arg16[%swap3A_458], %broadcast_in_dim3A_10 {strides = array<i32>} : memref<4096xf32, #tpu.memory_space<vmem>>, vector<16xf32>,
      %swap3A_460 = arith.index_cast %mul3A_443 : i32 to index
      %swap3A_461 = tpu.vector_load %arg18[%swap3A_460] {strides = array<i32>} : memref<4096xi32, #tpu.memory_space<vmem>>, vector<16xi32>,
      tpu.vector_store %arg18[%swap3A_460], %broadcast_in_dim3A_33 {strides = array<i32>} : memref<4096xi32, #tpu.memory_space<vmem>>, vector<16xi32>,
      %swap3A_462 = arith.index_cast %mul3A_443 : i32 to index
      %swap3A_463 = tpu.vector_load %arg17[%swap3A_462] {strides = array<i32>} : memref<4096xi32, #tpu.memory_space<vmem>>, vector<16xi32>,
      tpu.vector_store %arg17[%swap3A_462], %broadcast_in_dim3A_31 {strides = array<i32>} : memref<4096xi32, #tpu.memory_space<vmem>>, vector<16xi32>,
      %mul3A_464 = arith.constant 4 : i32
      %mul3A_465 = arith.muli %scan3A_384, %mul3A_464 : i32
      %add3A_466 = arith.constant 3 : i32
      %add3A_467 = arith.addi %mul3A_465, %add3A_466 : i32
      %mul3A_468 = arith.constant 16 : i32
      %mul3A_469 = arith.muli %add3A_467, %mul3A_468 : i32
      %swap3A_470 = arith.index_cast %mul3A_469 : i32 to index
      %swap3A_471 = tpu.vector_load %arg6[%swap3A_470] {strides = array<i32>} : memref<4096xf32, #tpu.memory_space<vmem>>, vector<16xf32>,
      tpu.vector_store %arg6[%swap3A_470], %broadcast_in_dim3A_10 {strides = array<i32>} : memref<4096xf32, #tpu.memory_space<vmem>>, vector<16xf32>,
      %swap3A_472 = arith.index_cast %mul3A_469 : i32 to index
      %swap3A_473 = tpu.vector_load %arg7[%swap3A_472] {strides = array<i32>} : memref<4096xf32, #tpu.memory_space<vmem>>, vector<16xf32>,
      tpu.vector_store %arg7[%swap3A_472], %broadcast_in_dim3A_10 {strides = array<i32>} : memref<4096xf32, #tpu.memory_space<vmem>>, vector<16xf32>,
      %swap3A_474 = arith.index_cast %mul3A_469 : i32 to index
      %swap3A_475 = tpu.vector_load %arg8[%swap3A_474] {strides = array<i32>} : memref<4096xf32, #tpu.memory_space<vmem>>, vector<16xf32>,
      tpu.vector_store %arg8[%swap3A_474], %broadcast_in_dim3A_10 {strides = array<i32>} : memref<4096xf32, #tpu.memory_space<vmem>>, vector<16xf32>,
      %swap3A_476 = arith.index_cast %mul3A_469 : i32 to index
      %swap3A_477 = tpu.vector_load %arg10[%swap3A_476] {strides = array<i32>} : memref<4096xi32, #tpu.memory_space<vmem>>, vector<16xi32>,
      tpu.vector_store %arg10[%swap3A_476], %broadcast_in_dim3A_33 {strides = array<i32>} : memref<4096xi32, #tpu.memory_space<vmem>>, vector<16xi32>,
      %swap3A_478 = arith.index_cast %mul3A_469 : i32 to index
      %swap3A_479 = tpu.vector_load %arg9[%swap3A_478] {strides = array<i32>} : memref<4096xi32, #tpu.memory_space<vmem>>, vector<16xi32>,
      tpu.vector_store %arg9[%swap3A_478], %broadcast_in_dim3A_31 {strides = array<i32>} : memref<4096xi32, #tpu.memory_space<vmem>>, vector<16xi32>,
      %swap3A_480 = arith.index_cast %mul3A_469 : i32 to index
      %swap3A_481 = tpu.vector_load %arg14[%swap3A_480] {strides = array<i32>} : memref<4096xf32, #tpu.memory_space<vmem>>, vector<16xf32>,
      tpu.vector_store %arg14[%swap3A_480], %broadcast_in_dim3A_10 {strides = array<i32>} : memref<4096xf32, #tpu.memory_space<vmem>>, vector<16xf32>,
      %swap3A_482 = arith.index_cast %mul3A_469 : i32 to index
      %swap3A_483 = tpu.vector_load %arg15[%swap3A_482] {strides = array<i32>} : memref<4096xf32, #tpu.memory_space<vmem>>, vector<16xf32>,
      tpu.vector_store %arg15[%swap3A_482], %broadcast_in_dim3A_10 {strides = array<i32>} : memref<4096xf32, #tpu.memory_space<vmem>>, vector<16xf32>,
      %swap3A_484 = arith.index_cast %mul3A_469 : i32 to index
      %swap3A_485 = tpu.vector_load %arg16[%swap3A_484] {strides = array<i32>} : memref<4096xf32, #tpu.memory_space<vmem>>, vector<16xf32>,
      tpu.vector_store %arg16[%swap3A_484], %broadcast_in_dim3A_10 {strides = array<i32>} : memref<4096xf32, #tpu.memory_space<vmem>>, vector<16xf32>,
      %swap3A_486 = arith.index_cast %mul3A_469 : i32 to index
      %swap3A_487 = tpu.vector_load %arg18[%swap3A_486] {strides = array<i32>} : memref<4096xi32, #tpu.memory_space<vmem>>, vector<16xi32>,
      tpu.vector_store %arg18[%swap3A_486], %broadcast_in_dim3A_33 {strides = array<i32>} : memref<4096xi32, #tpu.memory_space<vmem>>, vector<16xi32>,
      %swap3A_488 = arith.index_cast %mul3A_469 : i32 to index
      %swap3A_489 = tpu.vector_load %arg17[%swap3A_488] {strides = array<i32>} : memref<4096xi32, #tpu.memory_space<vmem>>, vector<16xi32>,
      tpu.vector_store %arg17[%swap3A_488], %broadcast_in_dim3A_31 {strides = array<i32>} : memref<4096xi32, #tpu.memory_space<vmem>>, vector<16xi32>,
      %scan3A_490 = arith.constant 0 : i32
      scf.yield %scan3A_490 : i32
    }
    %scan3A_39 = arith.constant 64 : i32
    %swap3A = arith.constant 0 : index
    %swap3A_40 = tpu.vector_load %arg11[%swap3A] {strides = array<i32>} : memref<256xf32, #tpu.memory_space<vmem>>, vector<16xf32>,
    tpu.vector_store %arg11[%swap3A], %broadcast_in_dim3A_10 {strides = array<i32>} : memref<256xf32, #tpu.memory_space<vmem>>, vector<16xf32>,
    %swap3A_41 = arith.constant 0 : index
    %swap3A_42 = tpu.vector_load %arg19[%swap3A_41] {strides = array<i32>} : memref<256xf32, #tpu.memory_space<vmem>>, vector<16xf32>,
    tpu.vector_store %arg19[%swap3A_41], %broadcast_in_dim3A_10 {strides = array<i32>} : memref<256xf32, #tpu.memory_space<vmem>>, vector<16xf32>,
    %swap3A_43 = arith.constant 16 : index
    %swap3A_44 = tpu.vector_load %arg11[%swap3A_43] {strides = array<i32>} : memref<256xf32, #tpu.memory_space<vmem>>, vector<16xf32>,
    tpu.vector_store %arg11[%swap3A_43], %broadcast_in_dim3A_10 {strides = array<i32>} : memref<256xf32, #tpu.memory_space<vmem>>, vector<16xf32>,
    %swap3A_45 = arith.constant 16 : index
    %swap3A_46 = tpu.vector_load %arg19[%swap3A_45] {strides = array<i32>} : memref<256xf32, #tpu.memory_space<vmem>>, vector<16xf32>,
    tpu.vector_store %arg19[%swap3A_45], %broadcast_in_dim3A_10 {strides = array<i32>} : memref<256xf32, #tpu.memory_space<vmem>>, vector<16xf32>,
    %swap3A_47 = arith.constant 32 : index
    %swap3A_48 = tpu.vector_load %arg11[%swap3A_47] {strides = array<i32>} : memref<256xf32, #tpu.memory_space<vmem>>, vector<16xf32>,
    tpu.vector_store %arg11[%swap3A_47], %broadcast_in_dim3A_10 {strides = array<i32>} : memref<256xf32, #tpu.memory_space<vmem>>, vector<16xf32>,
    %swap3A_49 = arith.constant 32 : index
    %swap3A_50 = tpu.vector_load %arg19[%swap3A_49] {strides = array<i32>} : memref<256xf32, #tpu.memory_space<vmem>>, vector<16xf32>,
    tpu.vector_store %arg19[%swap3A_49], %broadcast_in_dim3A_10 {strides = array<i32>} : memref<256xf32, #tpu.memory_space<vmem>>, vector<16xf32>,
    %swap3A_51 = arith.constant 48 : index
    %swap3A_52 = tpu.vector_load %arg11[%swap3A_51] {strides = array<i32>} : memref<256xf32, #tpu.memory_space<vmem>>, vector<16xf32>,
    tpu.vector_store %arg11[%swap3A_51], %broadcast_in_dim3A_10 {strides = array<i32>} : memref<256xf32, #tpu.memory_space<vmem>>, vector<16xf32>,
    %swap3A_53 = arith.constant 48 : index
    %swap3A_54 = tpu.vector_load %arg19[%swap3A_53] {strides = array<i32>} : memref<256xf32, #tpu.memory_space<vmem>>, vector<16xf32>,
    tpu.vector_store %arg19[%swap3A_53], %broadcast_in_dim3A_10 {strides = array<i32>} : memref<256xf32, #tpu.memory_space<vmem>>, vector<16xf32>,
    %swap3A_55 = arith.constant 64 : index
    %swap3A_56 = tpu.vector_load %arg11[%swap3A_55] {strides = array<i32>} : memref<256xf32, #tpu.memory_space<vmem>>, vector<16xf32>,
    tpu.vector_store %arg11[%swap3A_55], %broadcast_in_dim3A_10 {strides = array<i32>} : memref<256xf32, #tpu.memory_space<vmem>>, vector<16xf32>,
    %swap3A_57 = arith.constant 64 : index
    %swap3A_58 = tpu.vector_load %arg19[%swap3A_57] {strides = array<i32>} : memref<256xf32, #tpu.memory_space<vmem>>, vector<16xf32>,
    tpu.vector_store %arg19[%swap3A_57], %broadcast_in_dim3A_10 {strides = array<i32>} : memref<256xf32, #tpu.memory_space<vmem>>, vector<16xf32>,
    %swap3A_59 = arith.constant 80 : index
    %swap3A_60 = tpu.vector_load %arg11[%swap3A_59] {strides = array<i32>} : memref<256xf32, #tpu.memory_space<vmem>>, vector<16xf32>,
    tpu.vector_store %arg11[%swap3A_59], %broadcast_in_dim3A_10 {strides = array<i32>} : memref<256xf32, #tpu.memory_space<vmem>>, vector<16xf32>,
    %swap3A_61 = arith.constant 80 : index
    %swap3A_62 = tpu.vector_load %arg19[%swap3A_61] {strides = array<i32>} : memref<256xf32, #tpu.memory_space<vmem>>, vector<16xf32>,
    tpu.vector_store %arg19[%swap3A_61], %broadcast_in_dim3A_10 {strides = array<i32>} : memref<256xf32, #tpu.memory_space<vmem>>, vector<16xf32>,
    %swap3A_63 = arith.constant 96 : index
    %swap3A_64 = tpu.vector_load %arg11[%swap3A_63] {strides = array<i32>} : memref<256xf32, #tpu.memory_space<vmem>>, vector<16xf32>,
    tpu.vector_store %arg11[%swap3A_63], %broadcast_in_dim3A_10 {strides = array<i32>} : memref<256xf32, #tpu.memory_space<vmem>>, vector<16xf32>,
    %swap3A_65 = arith.constant 96 : index
    %swap3A_66 = tpu.vector_load %arg19[%swap3A_65] {strides = array<i32>} : memref<256xf32, #tpu.memory_space<vmem>>, vector<16xf32>,
    tpu.vector_store %arg19[%swap3A_65], %broadcast_in_dim3A_10 {strides = array<i32>} : memref<256xf32, #tpu.memory_space<vmem>>, vector<16xf32>,
    %swap3A_67 = arith.constant 112 : index
    %swap3A_68 = tpu.vector_load %arg11[%swap3A_67] {strides = array<i32>} : memref<256xf32, #tpu.memory_space<vmem>>, vector<16xf32>,
    tpu.vector_store %arg11[%swap3A_67], %broadcast_in_dim3A_10 {strides = array<i32>} : memref<256xf32, #tpu.memory_space<vmem>>, vector<16xf32>,
    %swap3A_69 = arith.constant 112 : index
    %swap3A_70 = tpu.vector_load %arg19[%swap3A_69] {strides = array<i32>} : memref<256xf32, #tpu.memory_space<vmem>>, vector<16xf32>,
    tpu.vector_store %arg19[%swap3A_69], %broadcast_in_dim3A_10 {strides = array<i32>} : memref<256xf32, #tpu.memory_space<vmem>>, vector<16xf32>,
    %swap3A_71 = arith.constant 128 : index
    %swap3A_72 = tpu.vector_load %arg11[%swap3A_71] {strides = array<i32>} : memref<256xf32, #tpu.memory_space<vmem>>, vector<16xf32>,
    tpu.vector_store %arg11[%swap3A_71], %broadcast_in_dim3A_10 {strides = array<i32>} : memref<256xf32, #tpu.memory_space<vmem>>, vector<16xf32>,
    %swap3A_73 = arith.constant 128 : index
    %swap3A_74 = tpu.vector_load %arg19[%swap3A_73] {strides = array<i32>} : memref<256xf32, #tpu.memory_space<vmem>>, vector<16xf32>,
    tpu.vector_store %arg19[%swap3A_73], %broadcast_in_dim3A_10 {strides = array<i32>} : memref<256xf32, #tpu.memory_space<vmem>>, vector<16xf32>,
    %swap3A_75 = arith.constant 144 : index
    %swap3A_76 = tpu.vector_load %arg11[%swap3A_75] {strides = array<i32>} : memref<256xf32, #tpu.memory_space<vmem>>, vector<16xf32>,
    tpu.vector_store %arg11[%swap3A_75], %broadcast_in_dim3A_10 {strides = array<i32>} : memref<256xf32, #tpu.memory_space<vmem>>, vector<16xf32>,
    %swap3A_77 = arith.constant 144 : index
    %swap3A_78 = tpu.vector_load %arg19[%swap3A_77] {strides = array<i32>} : memref<256xf32, #tpu.memory_space<vmem>>, vector<16xf32>,
    tpu.vector_store %arg19[%swap3A_77], %broadcast_in_dim3A_10 {strides = array<i32>} : memref<256xf32, #tpu.memory_space<vmem>>, vector<16xf32>,
    %swap3A_79 = arith.constant 160 : index
    %swap3A_80 = tpu.vector_load %arg11[%swap3A_79] {strides = array<i32>} : memref<256xf32, #tpu.memory_space<vmem>>, vector<16xf32>,
    tpu.vector_store %arg11[%swap3A_79], %broadcast_in_dim3A_10 {strides = array<i32>} : memref<256xf32, #tpu.memory_space<vmem>>, vector<16xf32>,
    %swap3A_81 = arith.constant 160 : index
    %swap3A_82 = tpu.vector_load %arg19[%swap3A_81] {strides = array<i32>} : memref<256xf32, #tpu.memory_space<vmem>>, vector<16xf32>,
    tpu.vector_store %arg19[%swap3A_81], %broadcast_in_dim3A_10 {strides = array<i32>} : memref<256xf32, #tpu.memory_space<vmem>>, vector<16xf32>,
    %swap3A_83 = arith.constant 176 : index
    %swap3A_84 = tpu.vector_load %arg11[%swap3A_83] {strides = array<i32>} : memref<256xf32, #tpu.memory_space<vmem>>, vector<16xf32>,
    tpu.vector_store %arg11[%swap3A_83], %broadcast_in_dim3A_10 {strides = array<i32>} : memref<256xf32, #tpu.memory_space<vmem>>, vector<16xf32>,
    %swap3A_85 = arith.constant 176 : index
    %swap3A_86 = tpu.vector_load %arg19[%swap3A_85] {strides = array<i32>} : memref<256xf32, #tpu.memory_space<vmem>>, vector<16xf32>,
    tpu.vector_store %arg19[%swap3A_85], %broadcast_in_dim3A_10 {strides = array<i32>} : memref<256xf32, #tpu.memory_space<vmem>>, vector<16xf32>,
    %swap3A_87 = arith.constant 192 : index
    %swap3A_88 = tpu.vector_load %arg11[%swap3A_87] {strides = array<i32>} : memref<256xf32, #tpu.memory_space<vmem>>, vector<16xf32>,
    tpu.vector_store %arg11[%swap3A_87], %broadcast_in_dim3A_10 {strides = array<i32>} : memref<256xf32, #tpu.memory_space<vmem>>, vector<16xf32>,
    %swap3A_89 = arith.constant 192 : index
    %swap3A_90 = tpu.vector_load %arg19[%swap3A_89] {strides = array<i32>} : memref<256xf32, #tpu.memory_space<vmem>>, vector<16xf32>,
    tpu.vector_store %arg19[%swap3A_89], %broadcast_in_dim3A_10 {strides = array<i32>} : memref<256xf32, #tpu.memory_space<vmem>>, vector<16xf32>,
    %swap3A_91 = arith.constant 208 : index
    %swap3A_92 = tpu.vector_load %arg11[%swap3A_91] {strides = array<i32>} : memref<256xf32, #tpu.memory_space<vmem>>, vector<16xf32>,
    tpu.vector_store %arg11[%swap3A_91], %broadcast_in_dim3A_10 {strides = array<i32>} : memref<256xf32, #tpu.memory_space<vmem>>, vector<16xf32>,
    %swap3A_93 = arith.constant 208 : index
    %swap3A_94 = tpu.vector_load %arg19[%swap3A_93] {strides = array<i32>} : memref<256xf32, #tpu.memory_space<vmem>>, vector<16xf32>,
    tpu.vector_store %arg19[%swap3A_93], %broadcast_in_dim3A_10 {strides = array<i32>} : memref<256xf32, #tpu.memory_space<vmem>>, vector<16xf32>,
    %swap3A_95 = arith.constant 224 : index
    %swap3A_96 = tpu.vector_load %arg11[%swap3A_95] {strides = array<i32>} : memref<256xf32, #tpu.memory_space<vmem>>, vector<16xf32>,
    tpu.vector_store %arg11[%swap3A_95], %broadcast_in_dim3A_10 {strides = array<i32>} : memref<256xf32, #tpu.memory_space<vmem>>, vector<16xf32>,
    %swap3A_97 = arith.constant 224 : index
    %swap3A_98 = tpu.vector_load %arg19[%swap3A_97] {strides = array<i32>} : memref<256xf32, #tpu.memory_space<vmem>>, vector<16xf32>,
    tpu.vector_store %arg19[%swap3A_97], %broadcast_in_dim3A_10 {strides = array<i32>} : memref<256xf32, #tpu.memory_space<vmem>>, vector<16xf32>,
    %swap3A_99 = arith.constant 240 : index
    %swap3A_100 = tpu.vector_load %arg11[%swap3A_99] {strides = array<i32>} : memref<256xf32, #tpu.memory_space<vmem>>, vector<16xf32>,
    tpu.vector_store %arg11[%swap3A_99], %broadcast_in_dim3A_10 {strides = array<i32>} : memref<256xf32, #tpu.memory_space<vmem>>, vector<16xf32>,
    %swap3A_101 = arith.constant 240 : index
    %swap3A_102 = tpu.vector_load %arg19[%swap3A_101] {strides = array<i32>} : memref<256xf32, #tpu.memory_space<vmem>>, vector<16xf32>,
    tpu.vector_store %arg19[%swap3A_101], %broadcast_in_dim3A_10 {strides = array<i32>} : memref<256xf32, #tpu.memory_space<vmem>>, vector<16xf32>,
    %swap3A_103 = arith.constant 0 : index
    %swap3A_104 = tpu.vector_load %arg12[%swap3A_103] {strides = array<i32>} : memref<16xf32, #tpu.memory_space<vmem>>, vector<16xf32>,
    tpu.vector_store %arg12[%swap3A_103], %broadcast_in_dim3A_10 {strides = array<i32>} : memref<16xf32, #tpu.memory_space<vmem>>, vector<16xf32>,
    %swap3A_105 = arith.constant 0 : index
    %swap3A_106 = tpu.vector_load %arg20[%swap3A_105] {strides = array<i32>} : memref<16xf32, #tpu.memory_space<vmem>>, vector<16xf32>,
    tpu.vector_store %arg20[%swap3A_105], %broadcast_in_dim3A_10 {strides = array<i32>} : memref<16xf32, #tpu.memory_space<vmem>>, vector<16xf32>,
    %dma_wait3A = arith.constant 0 : i32
    %dma_wait3A_107 = tpu.memref_slice %arg2[%add3A_14, %dma_wait3A] : memref<64x4096xf32, #tpu.memory_space<hbm>> -> memref<1x4096xf32, #tpu.memory_space<hbm>>
    %dma_wait3A_108 = tpu.memref_squeeze %dma_wait3A_107 : memref<1x4096xf32, #tpu.memory_space<hbm>> -> memref<4096xf32, #tpu.memory_space<hbm>>
    %dma_wait3A_109 = arith.constant 0 : i32
    %dma_wait3A_110 = tpu.memref_slice %arg2[%add3A_14, %dma_wait3A_109] : memref<64x4096xf32, #tpu.memory_space<hbm>> -> memref<1x4096xf32, #tpu.memory_space<hbm>>
    %dma_wait3A_111 = tpu.memref_squeeze %dma_wait3A_110 : memref<1x4096xf32, #tpu.memory_space<hbm>> -> memref<4096xf32, #tpu.memory_space<hbm>>
    tpu.wait_dma2 semaphore(%arg21 : memref<!tpu.dma_semaphore, #tpu.memory_space<semaphore_mem>>) src(%dma_wait3A_111 : memref<4096xf32, #tpu.memory_space<hbm>>) dst(%arg5 : memref<4096xf32, #tpu.memory_space<vmem>>)
    %dma_wait3A_112 = arith.constant 0 : i32
    %dma_wait3A_113 = tpu.memref_slice %arg2[%add3A_18, %dma_wait3A_112] : memref<64x4096xf32, #tpu.memory_space<hbm>> -> memref<1x4096xf32, #tpu.memory_space<hbm>>
    %dma_wait3A_114 = tpu.memref_squeeze %dma_wait3A_113 : memref<1x4096xf32, #tpu.memory_space<hbm>> -> memref<4096xf32, #tpu.memory_space<hbm>>
    %dma_wait3A_115 = arith.constant 0 : i32
    %dma_wait3A_116 = tpu.memref_slice %arg2[%add3A_18, %dma_wait3A_115] : memref<64x4096xf32, #tpu.memory_space<hbm>> -> memref<1x4096xf32, #tpu.memory_space<hbm>>
    %dma_wait3A_117 = tpu.memref_squeeze %dma_wait3A_116 : memref<1x4096xf32, #tpu.memory_space<hbm>> -> memref<4096xf32, #tpu.memory_space<hbm>>
    tpu.wait_dma2 semaphore(%arg21 : memref<!tpu.dma_semaphore, #tpu.memory_space<semaphore_mem>>) src(%dma_wait3A_117 : memref<4096xf32, #tpu.memory_space<hbm>>) dst(%arg13 : memref<4096xf32, #tpu.memory_space<vmem>>)
    %broadcast_in_dim3A_118 = arith.constant 520 : i32
    %broadcast_in_dim3A_119 = vector.broadcast %broadcast_in_dim3A_118 : i32 to vector<16xi32>
    %gather3A = tpu.vector_load_idx %arg5[%broadcast_in_dim3A_119] : memref<4096xf32, #tpu.memory_space<vmem>>[vector<16xi32>], vector<16xf32>,
    %shift_right_arithmetic3A = arith.constant 6 : i32
    %shift_right_arithmetic3A_120 = vector.broadcast %shift_right_arithmetic3A : i32 to vector<16xi32>
    %shift_right_arithmetic3A_121 = arith.shrsi %broadcast_in_dim3A_119, %shift_right_arithmetic3A_120 : vector<16xi32>
    %and3A = arith.constant 63 : i32
    %and3A_122 = vector.broadcast %and3A : i32 to vector<16xi32>
    %and3A_123 = arith.andi %broadcast_in_dim3A_119, %and3A_122 : vector<16xi32>
    %sub3A = arith.constant 56 : i32
    %sub3A_124 = vector.broadcast %sub3A : i32 to vector<16xi32>
    %sub3A_125 = arith.subi %shift_right_arithmetic3A_121, %sub3A_124 : vector<16xi32>
    %abs3A = math.absi %sub3A_125 : vector<16xi32>
    %convert_element_type3A = arith.sitofp %abs3A : vector<16xi32> to vector<16xf32>
    %sub3A_126 = arith.constant 56 : i32
    %sub3A_127 = vector.broadcast %sub3A_126 : i32 to vector<16xi32>
    %sub3A_128 = arith.subi %and3A_123, %sub3A_127 : vector<16xi32>
    %abs3A_129 = math.absi %sub3A_128 : vector<16xi32>
    %convert_element_type3A_130 = arith.sitofp %abs3A_129 : vector<16xi32> to vector<16xf32>
    %add3A_131 = arith.addf %convert_element_type3A, %convert_element_type3A_130 : vector<16xf32>
    %min3A = arith.minimumf %convert_element_type3A, %convert_element_type3A_130 : vector<16xf32>
    %sub3A_132 = arith.subf %add3A_131, %min3A : vector<16xf32>
    %mul3A_133 = arith.mulf %convert_element_type3A, %convert_element_type3A : vector<16xf32>
    %mul3A_134 = arith.mulf %convert_element_type3A_130, %convert_element_type3A_130 : vector<16xf32>
    %add3A_135 = arith.addf %mul3A_133, %mul3A_134 : vector<16xf32>
    %bitcast3A = vector.bitcast %add3A_135 : vector<16xf32> to vector<16xi32>
    %shift_right_arithmetic3A_136 = arith.constant 1 : i32
    %shift_right_arithmetic3A_137 = vector.broadcast %shift_right_arithmetic3A_136 : i32 to vector<16xi32>
    %shift_right_arithmetic3A_138 = arith.shrsi %bitcast3A, %shift_right_arithmetic3A_137 : vector<16xi32>
    %add3A_139 = arith.constant 532487669 : i32
    %add3A_140 = vector.broadcast %add3A_139 : i32 to vector<16xi32>
    %add3A_141 = arith.addi %shift_right_arithmetic3A_138, %add3A_140 : vector<16xi32>
    %bitcast3A_142 = vector.bitcast %add3A_141 : vector<16xi32> to vector<16xf32>
    %div3A = arith.divf %add3A_135, %bitcast3A_142 : vector<16xf32>
    %add3A_143 = arith.addf %bitcast3A_142, %div3A : vector<16xf32>
    %mul3A_144 = arith.constant 5.000000e-01 : f32
    %mul3A_145 = vector.broadcast %mul3A_144 : f32 to vector<16xf32>
    %mul3A_146 = arith.mulf %mul3A_145, %add3A_143 : vector<16xf32>
    %div3A_147 = arith.divf %add3A_135, %mul3A_146 : vector<16xf32>
    %add3A_148 = arith.addf %mul3A_146, %div3A_147 : vector<16xf32>
    %mul3A_149 = arith.constant 5.000000e-01 : f32
    %mul3A_150 = vector.broadcast %mul3A_149 : f32 to vector<16xf32>
    %mul3A_151 = arith.mulf %mul3A_150, %add3A_148 : vector<16xf32>
    %div3A_152 = arith.divf %add3A_135, %mul3A_151 : vector<16xf32>
    %add3A_153 = arith.addf %mul3A_151, %div3A_152 : vector<16xf32>
    %mul3A_154 = arith.constant 5.000000e-01 : f32
    %mul3A_155 = vector.broadcast %mul3A_154 : f32 to vector<16xf32>
    %mul3A_156 = arith.mulf %mul3A_155, %add3A_153 : vector<16xf32>
    %eq3A_157 = arith.constant 0.000000e+00 : f32
    %eq3A_158 = vector.broadcast %eq3A_157 : f32 to vector<16xf32>
    %eq3A_159 = arith.cmpf oeq, %add3A_135, %eq3A_158 : vector<16xf32>
    %jit3A = arith.constant 0.000000e+00 : f32
    %broadcast_in_dim3A_160 = vector.broadcast %jit3A : f32 to vector<16xf32>
    %select_n3A = arith.select %eq3A_159, %broadcast_in_dim3A_160, %mul3A_156 : vector<16xi1>, vector<16xf32>
    %mul3A_161 = arith.constant 1.000000e-03 : f32
    %mul3A_162 = vector.broadcast %mul3A_161 : f32 to vector<16xf32>
    %mul3A_163 = arith.mulf %mul3A_162, %select_n3A : vector<16xf32>
    %add3A_164 = arith.addf %sub3A_132, %mul3A_163 : vector<16xf32>
    %add3A_165 = arith.addf %add3A_164, %gather3A : vector<16xf32>
    %mul3A_166 = arith.constant 5.000000e-01 : f32
    %mul3A_167 = vector.broadcast %mul3A_166 : f32 to vector<16xf32>
    %mul3A_168 = arith.mulf %mul3A_167, %add3A_165 : vector<16xf32>
    %add3A_169 = arith.constant 0.000000e+00 : f32
    %add3A_170 = vector.broadcast %add3A_169 : f32 to vector<16xf32>
    %add3A_171 = arith.addf %add3A_170, %mul3A_168 : vector<16xf32>
    %neg3A = arith.constant 0.000000e+00 : f32
    %neg3A_172 = vector.broadcast %neg3A : f32 to vector<16xf32>
    %neg3A_173 = arith.subf %neg3A_172, %add3A_171 : vector<16xf32>
    %div3A_174 = arith.constant 8.000000e+00 : f32
    %div3A_175 = vector.broadcast %div3A_174 : f32 to vector<16xf32>
    %div3A_176 = arith.divf %neg3A_173, %div3A_175 : vector<16xf32>
    %exp3A = math.exp %div3A_176 : vector<16xf32>
    tpu.vector_store_idx %arg6[%broadcast_in_dim3A_119], %exp3A masked %eq3A_2 : memref<4096xf32, #tpu.memory_space<vmem>>[vector<16xi32>], vector<16xf32>, vector<16xi1>
    tpu.vector_store_idx %arg7[%broadcast_in_dim3A_119], %gather3A masked %eq3A_2 : memref<4096xf32, #tpu.memory_space<vmem>>[vector<16xi32>], vector<16xf32>, vector<16xi1>
    %broadcast_in_dim3A_177 = arith.constant 32 : i32
    %broadcast_in_dim3A_178 = vector.broadcast %broadcast_in_dim3A_177 : i32 to vector<16xi32>
    tpu.vector_store_idx %arg11[%broadcast_in_dim3A_178], %exp3A masked %eq3A_2 : memref<256xf32, #tpu.memory_space<vmem>>[vector<16xi32>], vector<16xf32>, vector<16xi1>
    %broadcast_in_dim3A_179 = arith.constant 2 : i32
    %broadcast_in_dim3A_180 = vector.broadcast %broadcast_in_dim3A_179 : i32 to vector<16xi32>
    tpu.vector_store_idx %arg12[%broadcast_in_dim3A_180], %exp3A masked %eq3A_2 : memref<16xf32, #tpu.memory_space<vmem>>[vector<16xi32>], vector<16xf32>, vector<16xi1>
    %gather3A_181 = tpu.vector_load_idx %arg13[%broadcast_in_dim3A_119] : memref<4096xf32, #tpu.memory_space<vmem>>[vector<16xi32>], vector<16xf32>,
    %shift_right_arithmetic3A_182 = arith.constant 6 : i32
    %shift_right_arithmetic3A_183 = vector.broadcast %shift_right_arithmetic3A_182 : i32 to vector<16xi32>
    %shift_right_arithmetic3A_184 = arith.shrsi %broadcast_in_dim3A_119, %shift_right_arithmetic3A_183 : vector<16xi32>
    %and3A_185 = arith.constant 63 : i32
    %and3A_186 = vector.broadcast %and3A_185 : i32 to vector<16xi32>
    %and3A_187 = arith.andi %broadcast_in_dim3A_119, %and3A_186 : vector<16xi32>
    %sub3A_188 = arith.constant 56 : i32
    %sub3A_189 = vector.broadcast %sub3A_188 : i32 to vector<16xi32>
    %sub3A_190 = arith.subi %shift_right_arithmetic3A_184, %sub3A_189 : vector<16xi32>
    %abs3A_191 = math.absi %sub3A_190 : vector<16xi32>
    %convert_element_type3A_192 = arith.sitofp %abs3A_191 : vector<16xi32> to vector<16xf32>
    %sub3A_193 = arith.constant 56 : i32
    %sub3A_194 = vector.broadcast %sub3A_193 : i32 to vector<16xi32>
    %sub3A_195 = arith.subi %and3A_187, %sub3A_194 : vector<16xi32>
    %abs3A_196 = math.absi %sub3A_195 : vector<16xi32>
    %convert_element_type3A_197 = arith.sitofp %abs3A_196 : vector<16xi32> to vector<16xf32>
    %add3A_198 = arith.addf %convert_element_type3A_192, %convert_element_type3A_197 : vector<16xf32>
    %min3A_199 = arith.minimumf %convert_element_type3A_192, %convert_element_type3A_197 : vector<16xf32>
    %sub3A_200 = arith.subf %add3A_198, %min3A_199 : vector<16xf32>
    %mul3A_201 = arith.mulf %convert_element_type3A_192, %convert_element_type3A_192 : vector<16xf32>
    %mul3A_202 = arith.mulf %convert_element_type3A_197, %convert_element_type3A_197 : vector<16xf32>
    %add3A_203 = arith.addf %mul3A_201, %mul3A_202 : vector<16xf32>
    %bitcast3A_204 = vector.bitcast %add3A_203 : vector<16xf32> to vector<16xi32>
    %shift_right_arithmetic3A_205 = arith.constant 1 : i32
    %shift_right_arithmetic3A_206 = vector.broadcast %shift_right_arithmetic3A_205 : i32 to vector<16xi32>
    %shift_right_arithmetic3A_207 = arith.shrsi %bitcast3A_204, %shift_right_arithmetic3A_206 : vector<16xi32>
    %add3A_208 = arith.constant 532487669 : i32
    %add3A_209 = vector.broadcast %add3A_208 : i32 to vector<16xi32>
    %add3A_210 = arith.addi %shift_right_arithmetic3A_207, %add3A_209 : vector<16xi32>
    %bitcast3A_211 = vector.bitcast %add3A_210 : vector<16xi32> to vector<16xf32>
    %div3A_212 = arith.divf %add3A_203, %bitcast3A_211 : vector<16xf32>
    %add3A_213 = arith.addf %bitcast3A_211, %div3A_212 : vector<16xf32>
    %mul3A_214 = arith.constant 5.000000e-01 : f32
    %mul3A_215 = vector.broadcast %mul3A_214 : f32 to vector<16xf32>
    %mul3A_216 = arith.mulf %mul3A_215, %add3A_213 : vector<16xf32>
    %div3A_217 = arith.divf %add3A_203, %mul3A_216 : vector<16xf32>
    %add3A_218 = arith.addf %mul3A_216, %div3A_217 : vector<16xf32>
    %mul3A_219 = arith.constant 5.000000e-01 : f32
    %mul3A_220 = vector.broadcast %mul3A_219 : f32 to vector<16xf32>
    %mul3A_221 = arith.mulf %mul3A_220, %add3A_218 : vector<16xf32>
    %div3A_222 = arith.divf %add3A_203, %mul3A_221 : vector<16xf32>
    %add3A_223 = arith.addf %mul3A_221, %div3A_222 : vector<16xf32>
    %mul3A_224 = arith.constant 5.000000e-01 : f32
    %mul3A_225 = vector.broadcast %mul3A_224 : f32 to vector<16xf32>
    %mul3A_226 = arith.mulf %mul3A_225, %add3A_223 : vector<16xf32>
    %eq3A_227 = arith.constant 0.000000e+00 : f32
    %eq3A_228 = vector.broadcast %eq3A_227 : f32 to vector<16xf32>
    %eq3A_229 = arith.cmpf oeq, %add3A_203, %eq3A_228 : vector<16xf32>
    %jit3A_230 = arith.constant 0.000000e+00 : f32
    %broadcast_in_dim3A_231 = vector.broadcast %jit3A_230 : f32 to vector<16xf32>
    %select_n3A_232 = arith.select %eq3A_229, %broadcast_in_dim3A_231, %mul3A_226 : vector<16xi1>, vector<16xf32>
    %mul3A_233 = arith.constant 1.000000e-03 : f32
    %mul3A_234 = vector.broadcast %mul3A_233 : f32 to vector<16xf32>
    %mul3A_235 = arith.mulf %mul3A_234, %select_n3A_232 : vector<16xf32>
    %add3A_236 = arith.addf %sub3A_200, %mul3A_235 : vector<16xf32>
    %add3A_237 = arith.addf %add3A_236, %gather3A_181 : vector<16xf32>
    %mul3A_238 = arith.constant 5.000000e-01 : f32
    %mul3A_239 = vector.broadcast %mul3A_238 : f32 to vector<16xf32>
    %mul3A_240 = arith.mulf %mul3A_239, %add3A_237 : vector<16xf32>
    %add3A_241 = arith.constant 0.000000e+00 : f32
    %add3A_242 = vector.broadcast %add3A_241 : f32 to vector<16xf32>
    %add3A_243 = arith.addf %add3A_242, %mul3A_240 : vector<16xf32>
    %neg3A_244 = arith.constant 0.000000e+00 : f32
    %neg3A_245 = vector.broadcast %neg3A_244 : f32 to vector<16xf32>
    %neg3A_246 = arith.subf %neg3A_245, %add3A_243 : vector<16xf32>
    %div3A_247 = arith.constant 8.000000e+00 : f32
    %div3A_248 = vector.broadcast %div3A_247 : f32 to vector<16xf32>
    %div3A_249 = arith.divf %neg3A_246, %div3A_248 : vector<16xf32>
    %exp3A_250 = math.exp %div3A_249 : vector<16xf32>
    tpu.vector_store_idx %arg14[%broadcast_in_dim3A_119], %exp3A_250 masked %eq3A_2 : memref<4096xf32, #tpu.memory_space<vmem>>[vector<16xi32>], vector<16xf32>, vector<16xi1>
    tpu.vector_store_idx %arg15[%broadcast_in_dim3A_119], %gather3A_181 masked %eq3A_2 : memref<4096xf32, #tpu.memory_space<vmem>>[vector<16xi32>], vector<16xf32>, vector<16xi1>
    %broadcast_in_dim3A_251 = arith.constant 32 : i32
    %broadcast_in_dim3A_252 = vector.broadcast %broadcast_in_dim3A_251 : i32 to vector<16xi32>
    tpu.vector_store_idx %arg19[%broadcast_in_dim3A_252], %exp3A_250 masked %eq3A_2 : memref<256xf32, #tpu.memory_space<vmem>>[vector<16xi32>], vector<16xf32>, vector<16xi1>
    %broadcast_in_dim3A_253 = arith.constant 2 : i32
    %broadcast_in_dim3A_254 = vector.broadcast %broadcast_in_dim3A_253 : i32 to vector<16xi32>
    tpu.vector_store_idx %arg20[%broadcast_in_dim3A_254], %exp3A_250 masked %eq3A_2 : memref<16xf32, #tpu.memory_space<vmem>>[vector<16xi32>], vector<16xf32>, vector<16xi1>
    %jit3A_255 = arith.constant 3 : i32
    %div3A_256 = vector.broadcast %jit3A_255 : i32 to vector<16xi32>
    %div3A_257 = arith.divsi %iota3A, %div3A_256 : vector<16xi32>
    %sign3A = arith.constant 0 : i32
    %sign3A_258 = vector.broadcast %sign3A : i32 to vector<16xi32>
    %sign3A_259 = arith.cmpi sgt, %iota3A, %sign3A_258 : vector<16xi32>
    %sign3A_260 = arith.extui %sign3A_259 : vector<16xi1> to vector<16xi32>
    %sign3A_261 = arith.constant 0 : i32
    %sign3A_262 = vector.broadcast %sign3A_261 : i32 to vector<16xi32>
    %sign3A_263 = arith.cmpi slt, %iota3A, %sign3A_262 : vector<16xi32>
    %sign3A_264 = arith.extui %sign3A_263 : vector<16xi1> to vector<16xi32>
    %sign3A_265 = arith.subi %sign3A_260, %sign3A_264 : vector<16xi32>
    %sign3A_266 = arith.constant 0 : i32
    %sign3A_267 = arith.cmpi sgt, %jit3A_255, %sign3A_266 : i32
    %sign3A_268 = arith.extui %sign3A_267 : i1 to i32
    %sign3A_269 = arith.constant 0 : i32
    %sign3A_270 = arith.cmpi slt, %jit3A_255, %sign3A_269 : i32
    %sign3A_271 = arith.extui %sign3A_270 : i1 to i32
    %sign3A_272 = arith.subi %sign3A_268, %sign3A_271 : i32
    %ne3A = vector.broadcast %sign3A_272 : i32 to vector<16xi32>
    %ne3A_273 = arith.cmpi ne, %sign3A_265, %ne3A : vector<16xi32>
    %rem3A = vector.broadcast %jit3A_255 : i32 to vector<16xi32>
    %rem3A_274 = arith.remsi %iota3A, %rem3A : vector<16xi32>
    %ne3A_275 = arith.constant 0 : i32
    %ne3A_276 = vector.broadcast %ne3A_275 : i32 to vector<16xi32>
    %ne3A_277 = arith.cmpi ne, %rem3A_274, %ne3A_276 : vector<16xi32>
    %and3A_278 = arith.andi %ne3A_273, %ne3A_277 : vector<16xi1>
    %sub3A_279 = arith.constant 1 : i32
    %sub3A_280 = vector.broadcast %sub3A_279 : i32 to vector<16xi32>
    %sub3A_281 = arith.subi %div3A_257, %sub3A_280 : vector<16xi32>
    %select_n3A_282 = arith.select %and3A_278, %sub3A_281, %div3A_257 : vector<16xi1>, vector<16xi32>
    %sub3A_283 = arith.constant 1 : i32
    %sub3A_284 = vector.broadcast %sub3A_283 : i32 to vector<16xi32>
    %sub3A_285 = arith.subi %select_n3A_282, %sub3A_284 : vector<16xi32>
    %jit3A_286 = arith.constant 3 : i32
    %eq3A_287 = arith.constant 0 : i32
    %eq3A_288 = arith.cmpi eq, %jit3A_286, %eq3A_287 : i32
    %jit3A_289 = arith.constant 1 : i32
    %select_n3A_290 = arith.select %eq3A_288, %jit3A_289, %jit3A_286 : i32
    %rem3A_291 = vector.broadcast %select_n3A_290 : i32 to vector<16xi32>
    %rem3A_292 = arith.remsi %iota3A, %rem3A_291 : vector<16xi32>
    %ne3A_293 = arith.constant 0 : i32
    %ne3A_294 = vector.broadcast %ne3A_293 : i32 to vector<16xi32>
    %ne3A_295 = arith.cmpi ne, %rem3A_292, %ne3A_294 : vector<16xi32>
    %lt3A = arith.constant 0 : i32
    %lt3A_296 = vector.broadcast %lt3A : i32 to vector<16xi32>
    %lt3A_297 = arith.cmpi slt, %rem3A_292, %lt3A_296 : vector<16xi32>
    %lt3A_298 = arith.constant 0 : i32
    %lt3A_299 = arith.cmpi slt, %select_n3A_290, %lt3A_298 : i32
    %ne3A_300 = vector.broadcast %lt3A_299 : i1 to vector<16xi1>
    %ne3A_301 = vector.broadcast %ne3A_300 : vector<16xi1> to vector<16xi1>
    %ne3A_302 = arith.xori %lt3A_297, %ne3A_301 : vector<16xi1>
    %and3A_303 = arith.andi %ne3A_302, %ne3A_295 : vector<16xi1>
    %add3A_304 = vector.broadcast %select_n3A_290 : i32 to vector<16xi32>
    %add3A_305 = arith.addi %rem3A_292, %add3A_304 : vector<16xi32>
    %select_n3A_306 = arith.select %and3A_303, %add3A_305, %rem3A_292 : vector<16xi1>, vector<16xi32>
    %sub3A_307 = arith.constant 1 : i32
    %sub3A_308 = vector.broadcast %sub3A_307 : i32 to vector<16xi32>
    %sub3A_309 = arith.subi %select_n3A_306, %sub3A_308 : vector<16xi32>
    %lt3A_310 = arith.constant 9 : i32
    %lt3A_311 = vector.broadcast %lt3A_310 : i32 to vector<16xi32>
    %lt3A_312 = arith.cmpi slt, %iota3A, %lt3A_311 : vector<16xi32>
    %ne3A_313 = arith.constant 4 : i32
    %ne3A_314 = vector.broadcast %ne3A_313 : i32 to vector<16xi32>
    %ne3A_315 = arith.cmpi ne, %iota3A, %ne3A_314 : vector<16xi32>
    %and3A_316 = arith.andi %lt3A_312, %ne3A_315 : vector<16xi1>
    %mul3A_317 = arith.constant 64 : i32
    %mul3A_318 = vector.broadcast %mul3A_317 : i32 to vector<16xi32>
    %mul3A_319 = arith.muli %sub3A_285, %mul3A_318 : vector<16xi32>
    %add3A_320 = arith.addi %mul3A_319, %sub3A_309 : vector<16xi32>
    %scan3A_321 = arith.constant 0 : i32
    %scan3A_322 = arith.constant 0 : i32
    %scan3A_323 = arith.constant 204 : i32
    %scan3A_324 = arith.addi %scan3A_322, %scan3A_323 : i32
    %scan3A_325 = arith.constant 1 : i32
    %scan3A_326 = scf.for %scan3A_384 = %scan3A_322 to %scan3A_324 step %scan3A_325 iter_args(%scan3A_385 = %scan3A_321) -> (i32)  : i32 {
      %get3A = arith.constant 0 : index
      %get3A_386 = tpu.vector_load %arg12[%get3A] {strides = array<i32>} : memref<16xf32, #tpu.memory_space<vmem>>, vector<16xf32>,
      %get3A_387 = arith.constant 0 : index
      %get3A_388 = tpu.vector_load %arg20[%get3A_387] {strides = array<i32>} : memref<16xf32, #tpu.memory_space<vmem>>, vector<16xf32>,
      %reduce_max3A = arith.constant true
      %reduce_max3A_389 = vector.broadcast %reduce_max3A : i1 to vector<16xi1>
      %reduce_max3A_390 = tpu.scan <max>, %get3A_386 masked %reduce_max3A_389 : vector<16xf32>, vector<16xi1> -> vector<16xf32>
      %reduce_max3A_391 = vector.extract %reduce_max3A_390[15] : f32 from vector<16xf32>
      %broadcast_in_dim3A_392 = vector.broadcast %reduce_max3A_391 : f32 to vector<16xf32>
      %reduce_max3A_393 = arith.constant true
      %reduce_max3A_394 = vector.broadcast %reduce_max3A_393 : i1 to vector<16xi1>
      %reduce_max3A_395 = tpu.scan <max>, %get3A_388 masked %reduce_max3A_394 : vector<16xf32>, vector<16xi1> -> vector<16xf32>
      %reduce_max3A_396 = vector.extract %reduce_max3A_395[15] : f32 from vector<16xf32>
      %broadcast_in_dim3A_397 = vector.broadcast %reduce_max3A_396 : f32 to vector<16xf32>
      %eq3A_398 = arith.cmpf oeq, %get3A_386, %broadcast_in_dim3A_392 : vector<16xf32>
      %all_reduce_ffs3A = tpu.all_reduce %eq3A_398 {dim = 0 : i64, kind = #tpu.reduction_kind<find_first_set>} : vector<16xi1> -> vector<16xi32>
      %eq3A_399 = arith.cmpf oeq, %get3A_388, %broadcast_in_dim3A_397 : vector<16xf32>
      %all_reduce_ffs3A_400 = tpu.all_reduce %eq3A_399 {dim = 0 : i64, kind = #tpu.reduction_kind<find_first_set>} : vector<16xi1> -> vector<16xi32>
      %mul3A_401 = arith.constant 16 : i32
      %mul3A_402 = vector.broadcast %mul3A_401 : i32 to vector<16xi32>
      %mul3A_403 = arith.muli %all_reduce_ffs3A, %mul3A_402 : vector<16xi32>
      %add3A_404 = arith.addi %mul3A_403, %iota3A : vector<16xi32>
      %gather3A_405 = tpu.vector_load_idx %arg11[%add3A_404] : memref<256xf32, #tpu.memory_space<vmem>>[vector<16xi32>], vector<16xf32>,
      %mul3A_406 = arith.constant 16 : i32
      %mul3A_407 = vector.broadcast %mul3A_406 : i32 to vector<16xi32>
      %mul3A_408 = arith.muli %all_reduce_ffs3A_400, %mul3A_407 : vector<16xi32>
      %add3A_409 = arith.addi %mul3A_408, %iota3A : vector<16xi32>
      %gather3A_410 = tpu.vector_load_idx %arg19[%add3A_409] : memref<256xf32, #tpu.memory_space<vmem>>[vector<16xi32>], vector<16xf32>,
      %mul3A_411 = arith.constant 16 : i32
      %mul3A_412 = vector.broadcast %mul3A_411 : i32 to vector<16xi32>
      %mul3A_413 = arith.muli %all_reduce_ffs3A, %mul3A_412 : vector<16xi32>
      %eq3A_414 = arith.cmpf oeq, %gather3A_405, %broadcast_in_dim3A_392 : vector<16xf32>
      %all_reduce_ffs3A_415 = tpu.all_reduce %eq3A_414 {dim = 0 : i64, kind = #tpu.reduction_kind<find_first_set>} : vector<16xi1> -> vector<16xi32>
      %add3A_416 = arith.addi %mul3A_413, %all_reduce_ffs3A_415 : vector<16xi32>
      %mul3A_417 = arith.constant 16 : i32
      %mul3A_418 = vector.broadcast %mul3A_417 : i32 to vector<16xi32>
      %mul3A_419 = arith.muli %all_reduce_ffs3A_400, %mul3A_418 : vector<16xi32>
      %eq3A_420 = arith.cmpf oeq, %gather3A_410, %broadcast_in_dim3A_397 : vector<16xf32>
      %all_reduce_ffs3A_421 = tpu.all_reduce %eq3A_420 {dim = 0 : i64, kind = #tpu.reduction_kind<find_first_set>} : vector<16xi1> -> vector<16xi32>
      %add3A_422 = arith.addi %mul3A_419, %all_reduce_ffs3A_421 : vector<16xi32>
      %mul3A_423 = arith.constant 16 : i32
      %mul3A_424 = vector.broadcast %mul3A_423 : i32 to vector<16xi32>
      %mul3A_425 = arith.muli %add3A_416, %mul3A_424 : vector<16xi32>
      %add3A_426 = arith.addi %mul3A_425, %iota3A : vector<16xi32>
      %gather3A_427 = tpu.vector_load_idx %arg6[%add3A_426] : memref<4096xf32, #tpu.memory_space<vmem>>[vector<16xi32>], vector<16xf32>,
      %mul3A_428 = arith.constant 16 : i32
      %mul3A_429 = vector.broadcast %mul3A_428 : i32 to vector<16xi32>
      %mul3A_430 = arith.muli %add3A_422, %mul3A_429 : vector<16xi32>
      %add3A_431 = arith.addi %mul3A_430, %iota3A : vector<16xi32>
      %gather3A_432 = tpu.vector_load_idx %arg14[%add3A_431] : memref<4096xf32, #tpu.memory_space<vmem>>[vector<16xi32>], vector<16xf32>,
      %mul3A_433 = arith.constant 16 : i32
      %mul3A_434 = vector.broadcast %mul3A_433 : i32 to vector<16xi32>
      %mul3A_435 = arith.muli %add3A_416, %mul3A_434 : vector<16xi32>
      %eq3A_436 = arith.cmpf oeq, %gather3A_427, %broadcast_in_dim3A_392 : vector<16xf32>
      %all_reduce_ffs3A_437 = tpu.all_reduce %eq3A_436 {dim = 0 : i64, kind = #tpu.reduction_kind<find_first_set>} : vector<16xi1> -> vector<16xi32>
      %add3A_438 = arith.addi %mul3A_435, %all_reduce_ffs3A_437 : vector<16xi32>
      %mul3A_439 = arith.constant 16 : i32
      %mul3A_440 = vector.broadcast %mul3A_439 : i32 to vector<16xi32>
      %mul3A_441 = arith.muli %add3A_422, %mul3A_440 : vector<16xi32>
      %eq3A_442 = arith.cmpf oeq, %gather3A_432, %broadcast_in_dim3A_397 : vector<16xf32>
      %all_reduce_ffs3A_443 = tpu.all_reduce %eq3A_442 {dim = 0 : i64, kind = #tpu.reduction_kind<find_first_set>} : vector<16xi1> -> vector<16xi32>
      %add3A_444 = arith.addi %mul3A_441, %all_reduce_ffs3A_443 : vector<16xi32>
      %shift_right_arithmetic3A_445 = arith.constant 6 : i32
      %shift_right_arithmetic3A_446 = vector.broadcast %shift_right_arithmetic3A_445 : i32 to vector<16xi32>
      %shift_right_arithmetic3A_447 = arith.shrsi %add3A_438, %shift_right_arithmetic3A_446 : vector<16xi32>
      %shift_right_arithmetic3A_448 = arith.constant 6 : i32
      %shift_right_arithmetic3A_449 = vector.broadcast %shift_right_arithmetic3A_448 : i32 to vector<16xi32>
      %shift_right_arithmetic3A_450 = arith.shrsi %add3A_444, %shift_right_arithmetic3A_449 : vector<16xi32>
      %and3A_451 = arith.constant 63 : i32
      %and3A_452 = vector.broadcast %and3A_451 : i32 to vector<16xi32>
      %and3A_453 = arith.andi %add3A_438, %and3A_452 : vector<16xi32>
      %and3A_454 = arith.constant 63 : i32
      %and3A_455 = vector.broadcast %and3A_454 : i32 to vector<16xi32>
      %and3A_456 = arith.andi %add3A_444, %and3A_455 : vector<16xi32>
      tpu.vector_store_idx %arg8[%add3A_438], %broadcast_in_dim3A_6 masked %eq3A_2 : memref<4096xf32, #tpu.memory_space<vmem>>[vector<16xi32>], vector<16xf32>, vector<16xi1>
      %eq3A_457 = arith.cmpi eq, %add3A_438, %broadcast_in_dim3A_31 : vector<16xi32>
      %jit3A_458 = arith.constant -1.000000e+00 : f32
      %broadcast_in_dim3A_459 = vector.broadcast %jit3A_458 : f32 to vector<16xf32>
      %select_n3A_460 = arith.select %eq3A_457, %broadcast_in_dim3A_392, %broadcast_in_dim3A_459 : vector<16xi1>, vector<16xf32>
      tpu.vector_store_idx %arg6[%add3A_438], %select_n3A_460 masked %eq3A_2 : memref<4096xf32, #tpu.memory_space<vmem>>[vector<16xi32>], vector<16xf32>, vector<16xi1>
      tpu.vector_store_idx %arg16[%add3A_444], %broadcast_in_dim3A_6 masked %eq3A_2 : memref<4096xf32, #tpu.memory_space<vmem>>[vector<16xi32>], vector<16xf32>, vector<16xi1>
      %eq3A_461 = arith.cmpi eq, %add3A_444, %broadcast_in_dim3A_31 : vector<16xi32>
      %jit3A_462 = arith.constant -1.000000e+00 : f32
      %broadcast_in_dim3A_463 = vector.broadcast %jit3A_462 : f32 to vector<16xf32>
      %select_n3A_464 = arith.select %eq3A_461, %broadcast_in_dim3A_397, %broadcast_in_dim3A_463 : vector<16xi1>, vector<16xf32>
      tpu.vector_store_idx %arg14[%add3A_444], %select_n3A_464 masked %eq3A_2 : memref<4096xf32, #tpu.memory_space<vmem>>[vector<16xi32>], vector<16xf32>, vector<16xi1>
      %gather3A_465 = tpu.vector_load_idx %arg7[%add3A_438] : memref<4096xf32, #tpu.memory_space<vmem>>[vector<16xi32>], vector<16xf32>,
      %gather3A_466 = tpu.vector_load_idx %arg15[%add3A_444] : memref<4096xf32, #tpu.memory_space<vmem>>[vector<16xi32>], vector<16xf32>,
      %add3A_467 = arith.addi %shift_right_arithmetic3A_447, %sub3A_285 : vector<16xi32>
      %ge3A = arith.constant 0 : i32
      %ge3A_468 = vector.broadcast %ge3A : i32 to vector<16xi32>
      %ge3A_469 = arith.cmpi sge, %add3A_467, %ge3A_468 : vector<16xi32>
      %and3A_470 = arith.andi %and3A_316, %ge3A_469 : vector<16xi1>
      %add3A_471 = arith.addi %shift_right_arithmetic3A_447, %sub3A_285 : vector<16xi32>
      %le3A = arith.constant 63 : i32
      %le3A_472 = vector.broadcast %le3A : i32 to vector<16xi32>
      %le3A_473 = arith.cmpi sle, %add3A_471, %le3A_472 : vector<16xi32>
      %and3A_474 = arith.andi %and3A_470, %le3A_473 : vector<16xi1>
      %add3A_475 = arith.addi %and3A_453, %sub3A_309 : vector<16xi32>
      %ge3A_476 = arith.constant 0 : i32
      %ge3A_477 = vector.broadcast %ge3A_476 : i32 to vector<16xi32>
      %ge3A_478 = arith.cmpi sge, %add3A_475, %ge3A_477 : vector<16xi32>
      %and3A_479 = arith.andi %and3A_474, %ge3A_478 : vector<16xi1>
      %add3A_480 = arith.addi %and3A_453, %sub3A_309 : vector<16xi32>
      %le3A_481 = arith.constant 63 : i32
      %le3A_482 = vector.broadcast %le3A_481 : i32 to vector<16xi32>
      %le3A_483 = arith.cmpi sle, %add3A_480, %le3A_482 : vector<16xi32>
      %and3A_484 = arith.andi %and3A_479, %le3A_483 : vector<16xi1>
      %add3A_485 = arith.addi %shift_right_arithmetic3A_450, %sub3A_285 : vector<16xi32>
      %ge3A_486 = arith.constant 0 : i32
      %ge3A_487 = vector.broadcast %ge3A_486 : i32 to vector<16xi32>
      %ge3A_488 = arith.cmpi sge, %add3A_485, %ge3A_487 : vector<16xi32>
      %and3A_489 = arith.andi %and3A_316, %ge3A_488 : vector<16xi1>
      %add3A_490 = arith.addi %shift_right_arithmetic3A_450, %sub3A_285 : vector<16xi32>
      %le3A_491 = arith.constant 63 : i32
      %le3A_492 = vector.broadcast %le3A_491 : i32 to vector<16xi32>
      %le3A_493 = arith.cmpi sle, %add3A_490, %le3A_492 : vector<16xi32>
      %and3A_494 = arith.andi %and3A_489, %le3A_493 : vector<16xi1>
      %add3A_495 = arith.addi %and3A_456, %sub3A_309 : vector<16xi32>
      %ge3A_496 = arith.constant 0 : i32
      %ge3A_497 = vector.broadcast %ge3A_496 : i32 to vector<16xi32>
      %ge3A_498 = arith.cmpi sge, %add3A_495, %ge3A_497 : vector<16xi32>
      %and3A_499 = arith.andi %and3A_494, %ge3A_498 : vector<16xi1>
      %add3A_500 = arith.addi %and3A_456, %sub3A_309 : vector<16xi32>
      %le3A_501 = arith.constant 63 : i32
      %le3A_502 = vector.broadcast %le3A_501 : i32 to vector<16xi32>
      %le3A_503 = arith.cmpi sle, %add3A_500, %le3A_502 : vector<16xi32>
      %and3A_504 = arith.andi %and3A_499, %le3A_503 : vector<16xi1>
      %add3A_505 = arith.addi %add3A_438, %add3A_320 : vector<16xi32>
      %select_n3A_506 = arith.select %and3A_484, %add3A_505, %add3A_438 : vector<16xi1>, vector<16xi32>
      %add3A_507 = arith.addi %add3A_444, %add3A_320 : vector<16xi32>
      %select_n3A_508 = arith.select %and3A_504, %add3A_507, %add3A_444 : vector<16xi1>, vector<16xi32>
      %gather3A_509 = tpu.vector_load_idx %arg6[%select_n3A_506] : memref<4096xf32, #tpu.memory_space<vmem>>[vector<16xi32>], vector<16xf32>,
      %gather3A_510 = tpu.vector_load_idx %arg14[%select_n3A_508] : memref<4096xf32, #tpu.memory_space<vmem>>[vector<16xi32>], vector<16xf32>,
      %gather3A_511 = tpu.vector_load_idx %arg5[%select_n3A_506] : memref<4096xf32, #tpu.memory_space<vmem>>[vector<16xi32>], vector<16xf32>,
      %gather3A_512 = tpu.vector_load_idx %arg13[%select_n3A_508] : memref<4096xf32, #tpu.memory_space<vmem>>[vector<16xi32>], vector<16xf32>,
      %eq3A_513 = arith.constant 0.000000e+00 : f32
      %eq3A_514 = vector.broadcast %eq3A_513 : f32 to vector<16xf32>
      %eq3A_515 = arith.cmpf oeq, %gather3A_509, %eq3A_514 : vector<16xf32>
      %and3A_516 = arith.andi %and3A_484, %eq3A_515 : vector<16xi1>
      %eq3A_517 = arith.constant 0.000000e+00 : f32
      %eq3A_518 = vector.broadcast %eq3A_517 : f32 to vector<16xf32>
      %eq3A_519 = arith.cmpf oeq, %gather3A_510, %eq3A_518 : vector<16xf32>
      %and3A_520 = arith.andi %and3A_504, %eq3A_519 : vector<16xi1>
      %shift_right_arithmetic3A_521 = arith.constant 6 : i32
      %shift_right_arithmetic3A_522 = vector.broadcast %shift_right_arithmetic3A_521 : i32 to vector<16xi32>
      %shift_right_arithmetic3A_523 = arith.shrsi %select_n3A_506, %shift_right_arithmetic3A_522 : vector<16xi32>
      %and3A_524 = arith.constant 63 : i32
      %and3A_525 = vector.broadcast %and3A_524 : i32 to vector<16xi32>
      %and3A_526 = arith.andi %select_n3A_506, %and3A_525 : vector<16xi32>
      %sub3A_527 = arith.constant 56 : i32
      %sub3A_528 = vector.broadcast %sub3A_527 : i32 to vector<16xi32>
      %sub3A_529 = arith.subi %shift_right_arithmetic3A_523, %sub3A_528 : vector<16xi32>
      %abs3A_530 = math.absi %sub3A_529 : vector<16xi32>
      %convert_element_type3A_531 = arith.sitofp %abs3A_530 : vector<16xi32> to vector<16xf32>
      %sub3A_532 = arith.constant 56 : i32
      %sub3A_533 = vector.broadcast %sub3A_532 : i32 to vector<16xi32>
      %sub3A_534 = arith.subi %and3A_526, %sub3A_533 : vector<16xi32>
      %abs3A_535 = math.absi %sub3A_534 : vector<16xi32>
      %convert_element_type3A_536 = arith.sitofp %abs3A_535 : vector<16xi32> to vector<16xf32>
      %add3A_537 = arith.addf %convert_element_type3A_531, %convert_element_type3A_536 : vector<16xf32>
      %min3A_538 = arith.minimumf %convert_element_type3A_531, %convert_element_type3A_536 : vector<16xf32>
      %sub3A_539 = arith.subf %add3A_537, %min3A_538 : vector<16xf32>
      %mul3A_540 = arith.mulf %convert_element_type3A_531, %convert_element_type3A_531 : vector<16xf32>
      %mul3A_541 = arith.mulf %convert_element_type3A_536, %convert_element_type3A_536 : vector<16xf32>
      %add3A_542 = arith.addf %mul3A_540, %mul3A_541 : vector<16xf32>
      %bitcast3A_543 = vector.bitcast %add3A_542 : vector<16xf32> to vector<16xi32>
      %shift_right_arithmetic3A_544 = arith.constant 1 : i32
      %shift_right_arithmetic3A_545 = vector.broadcast %shift_right_arithmetic3A_544 : i32 to vector<16xi32>
      %shift_right_arithmetic3A_546 = arith.shrsi %bitcast3A_543, %shift_right_arithmetic3A_545 : vector<16xi32>
      %add3A_547 = arith.constant 532487669 : i32
      %add3A_548 = vector.broadcast %add3A_547 : i32 to vector<16xi32>
      %add3A_549 = arith.addi %shift_right_arithmetic3A_546, %add3A_548 : vector<16xi32>
      %bitcast3A_550 = vector.bitcast %add3A_549 : vector<16xi32> to vector<16xf32>
      %div3A_551 = arith.divf %add3A_542, %bitcast3A_550 : vector<16xf32>
      %add3A_552 = arith.addf %bitcast3A_550, %div3A_551 : vector<16xf32>
      %mul3A_553 = arith.constant 5.000000e-01 : f32
      %mul3A_554 = vector.broadcast %mul3A_553 : f32 to vector<16xf32>
      %mul3A_555 = arith.mulf %mul3A_554, %add3A_552 : vector<16xf32>
      %div3A_556 = arith.divf %add3A_542, %mul3A_555 : vector<16xf32>
      %add3A_557 = arith.addf %mul3A_555, %div3A_556 : vector<16xf32>
      %mul3A_558 = arith.constant 5.000000e-01 : f32
      %mul3A_559 = vector.broadcast %mul3A_558 : f32 to vector<16xf32>
      %mul3A_560 = arith.mulf %mul3A_559, %add3A_557 : vector<16xf32>
      %div3A_561 = arith.divf %add3A_542, %mul3A_560 : vector<16xf32>
      %add3A_562 = arith.addf %mul3A_560, %div3A_561 : vector<16xf32>
      %mul3A_563 = arith.constant 5.000000e-01 : f32
      %mul3A_564 = vector.broadcast %mul3A_563 : f32 to vector<16xf32>
      %mul3A_565 = arith.mulf %mul3A_564, %add3A_562 : vector<16xf32>
      %eq3A_566 = arith.constant 0.000000e+00 : f32
      %eq3A_567 = vector.broadcast %eq3A_566 : f32 to vector<16xf32>
      %eq3A_568 = arith.cmpf oeq, %add3A_542, %eq3A_567 : vector<16xf32>
      %jit3A_569 = arith.constant 0.000000e+00 : f32
      %broadcast_in_dim3A_570 = vector.broadcast %jit3A_569 : f32 to vector<16xf32>
      %select_n3A_571 = arith.select %eq3A_568, %broadcast_in_dim3A_570, %mul3A_565 : vector<16xi1>, vector<16xf32>
      %mul3A_572 = arith.constant 1.000000e-03 : f32
      %mul3A_573 = vector.broadcast %mul3A_572 : f32 to vector<16xf32>
      %mul3A_574 = arith.mulf %mul3A_573, %select_n3A_571 : vector<16xf32>
      %add3A_575 = arith.addf %sub3A_539, %mul3A_574 : vector<16xf32>
      %add3A_576 = arith.addf %add3A_575, %gather3A_511 : vector<16xf32>
      %shift_right_arithmetic3A_577 = arith.constant 6 : i32
      %shift_right_arithmetic3A_578 = vector.broadcast %shift_right_arithmetic3A_577 : i32 to vector<16xi32>
      %shift_right_arithmetic3A_579 = arith.shrsi %select_n3A_508, %shift_right_arithmetic3A_578 : vector<16xi32>
      %and3A_580 = arith.constant 63 : i32
      %and3A_581 = vector.broadcast %and3A_580 : i32 to vector<16xi32>
      %and3A_582 = arith.andi %select_n3A_508, %and3A_581 : vector<16xi32>
      %sub3A_583 = arith.constant 56 : i32
      %sub3A_584 = vector.broadcast %sub3A_583 : i32 to vector<16xi32>
      %sub3A_585 = arith.subi %shift_right_arithmetic3A_579, %sub3A_584 : vector<16xi32>
      %abs3A_586 = math.absi %sub3A_585 : vector<16xi32>
      %convert_element_type3A_587 = arith.sitofp %abs3A_586 : vector<16xi32> to vector<16xf32>
      %sub3A_588 = arith.constant 56 : i32
      %sub3A_589 = vector.broadcast %sub3A_588 : i32 to vector<16xi32>
      %sub3A_590 = arith.subi %and3A_582, %sub3A_589 : vector<16xi32>
      %abs3A_591 = math.absi %sub3A_590 : vector<16xi32>
      %convert_element_type3A_592 = arith.sitofp %abs3A_591 : vector<16xi32> to vector<16xf32>
      %add3A_593 = arith.addf %convert_element_type3A_587, %convert_element_type3A_592 : vector<16xf32>
      %min3A_594 = arith.minimumf %convert_element_type3A_587, %convert_element_type3A_592 : vector<16xf32>
      %sub3A_595 = arith.subf %add3A_593, %min3A_594 : vector<16xf32>
      %mul3A_596 = arith.mulf %convert_element_type3A_587, %convert_element_type3A_587 : vector<16xf32>
      %mul3A_597 = arith.mulf %convert_element_type3A_592, %convert_element_type3A_592 : vector<16xf32>
      %add3A_598 = arith.addf %mul3A_596, %mul3A_597 : vector<16xf32>
      %bitcast3A_599 = vector.bitcast %add3A_598 : vector<16xf32> to vector<16xi32>
      %shift_right_arithmetic3A_600 = arith.constant 1 : i32
      %shift_right_arithmetic3A_601 = vector.broadcast %shift_right_arithmetic3A_600 : i32 to vector<16xi32>
      %shift_right_arithmetic3A_602 = arith.shrsi %bitcast3A_599, %shift_right_arithmetic3A_601 : vector<16xi32>
      %add3A_603 = arith.constant 532487669 : i32
      %add3A_604 = vector.broadcast %add3A_603 : i32 to vector<16xi32>
      %add3A_605 = arith.addi %shift_right_arithmetic3A_602, %add3A_604 : vector<16xi32>
      %bitcast3A_606 = vector.bitcast %add3A_605 : vector<16xi32> to vector<16xf32>
      %div3A_607 = arith.divf %add3A_598, %bitcast3A_606 : vector<16xf32>
      %add3A_608 = arith.addf %bitcast3A_606, %div3A_607 : vector<16xf32>
      %mul3A_609 = arith.constant 5.000000e-01 : f32
      %mul3A_610 = vector.broadcast %mul3A_609 : f32 to vector<16xf32>
      %mul3A_611 = arith.mulf %mul3A_610, %add3A_608 : vector<16xf32>
      %div3A_612 = arith.divf %add3A_598, %mul3A_611 : vector<16xf32>
      %add3A_613 = arith.addf %mul3A_611, %div3A_612 : vector<16xf32>
      %mul3A_614 = arith.constant 5.000000e-01 : f32
      %mul3A_615 = vector.broadcast %mul3A_614 : f32 to vector<16xf32>
      %mul3A_616 = arith.mulf %mul3A_615, %add3A_613 : vector<16xf32>
      %div3A_617 = arith.divf %add3A_598, %mul3A_616 : vector<16xf32>
      %add3A_618 = arith.addf %mul3A_616, %div3A_617 : vector<16xf32>
      %mul3A_619 = arith.constant 5.000000e-01 : f32
      %mul3A_620 = vector.broadcast %mul3A_619 : f32 to vector<16xf32>
      %mul3A_621 = arith.mulf %mul3A_620, %add3A_618 : vector<16xf32>
      %eq3A_622 = arith.constant 0.000000e+00 : f32
      %eq3A_623 = vector.broadcast %eq3A_622 : f32 to vector<16xf32>
      %eq3A_624 = arith.cmpf oeq, %add3A_598, %eq3A_623 : vector<16xf32>
      %jit3A_625 = arith.constant 0.000000e+00 : f32
      %broadcast_in_dim3A_626 = vector.broadcast %jit3A_625 : f32 to vector<16xf32>
      %select_n3A_627 = arith.select %eq3A_624, %broadcast_in_dim3A_626, %mul3A_621 : vector<16xi1>, vector<16xf32>
      %mul3A_628 = arith.constant 1.000000e-03 : f32
      %mul3A_629 = vector.broadcast %mul3A_628 : f32 to vector<16xf32>
      %mul3A_630 = arith.mulf %mul3A_629, %select_n3A_627 : vector<16xf32>
      %add3A_631 = arith.addf %sub3A_595, %mul3A_630 : vector<16xf32>
      %add3A_632 = arith.addf %add3A_631, %gather3A_512 : vector<16xf32>
      %mul3A_633 = arith.constant 5.000000e-01 : f32
      %mul3A_634 = vector.broadcast %mul3A_633 : f32 to vector<16xf32>
      %mul3A_635 = arith.mulf %mul3A_634, %gather3A_465 : vector<16xf32>
      %mul3A_636 = arith.constant 5.000000e-01 : f32
      %mul3A_637 = vector.broadcast %mul3A_636 : f32 to vector<16xf32>
      %mul3A_638 = arith.mulf %mul3A_637, %add3A_576 : vector<16xf32>
      %add3A_639 = arith.addf %mul3A_635, %mul3A_638 : vector<16xf32>
      %neg3A_640 = arith.constant 0.000000e+00 : f32
      %neg3A_641 = vector.broadcast %neg3A_640 : f32 to vector<16xf32>
      %neg3A_642 = arith.subf %neg3A_641, %add3A_639 : vector<16xf32>
      %div3A_643 = arith.constant 8.000000e+00 : f32
      %div3A_644 = vector.broadcast %div3A_643 : f32 to vector<16xf32>
      %div3A_645 = arith.divf %neg3A_642, %div3A_644 : vector<16xf32>
      %exp3A_646 = math.exp %div3A_645 : vector<16xf32>
      %mul3A_647 = arith.constant 5.000000e-01 : f32
      %mul3A_648 = vector.broadcast %mul3A_647 : f32 to vector<16xf32>
      %mul3A_649 = arith.mulf %mul3A_648, %gather3A_466 : vector<16xf32>
      %mul3A_650 = arith.constant 5.000000e-01 : f32
      %mul3A_651 = vector.broadcast %mul3A_650 : f32 to vector<16xf32>
      %mul3A_652 = arith.mulf %mul3A_651, %add3A_632 : vector<16xf32>
      %add3A_653 = arith.addf %mul3A_649, %mul3A_652 : vector<16xf32>
      %neg3A_654 = arith.constant 0.000000e+00 : f32
      %neg3A_655 = vector.broadcast %neg3A_654 : f32 to vector<16xf32>
      %neg3A_656 = arith.subf %neg3A_655, %add3A_653 : vector<16xf32>
      %div3A_657 = arith.constant 8.000000e+00 : f32
      %div3A_658 = vector.broadcast %div3A_657 : f32 to vector<16xf32>
      %div3A_659 = arith.divf %neg3A_656, %div3A_658 : vector<16xf32>
      %exp3A_660 = math.exp %div3A_659 : vector<16xf32>
      %add3A_661 = arith.addf %gather3A_465, %gather3A_511 : vector<16xf32>
      tpu.vector_store_idx %arg7[%select_n3A_506], %add3A_661 masked %and3A_516 : memref<4096xf32, #tpu.memory_space<vmem>>[vector<16xi32>], vector<16xf32>, vector<16xi1>
      tpu.vector_store_idx %arg9[%select_n3A_506], %add3A_438 masked %and3A_516 : memref<4096xi32, #tpu.memory_space<vmem>>[vector<16xi32>], vector<16xi32>, vector<16xi1>
      tpu.vector_store_idx %arg6[%select_n3A_506], %exp3A_646 masked %and3A_516 : memref<4096xf32, #tpu.memory_space<vmem>>[vector<16xi32>], vector<16xf32>, vector<16xi1>
      %add3A_662 = arith.addf %gather3A_466, %gather3A_512 : vector<16xf32>
      tpu.vector_store_idx %arg15[%select_n3A_508], %add3A_662 masked %and3A_520 : memref<4096xf32, #tpu.memory_space<vmem>>[vector<16xi32>], vector<16xf32>, vector<16xi1>
      tpu.vector_store_idx %arg17[%select_n3A_508], %add3A_444 masked %and3A_520 : memref<4096xi32, #tpu.memory_space<vmem>>[vector<16xi32>], vector<16xi32>, vector<16xi1>
      tpu.vector_store_idx %arg14[%select_n3A_508], %exp3A_660 masked %and3A_520 : memref<4096xf32, #tpu.memory_space<vmem>>[vector<16xi32>], vector<16xf32>, vector<16xi1>
      %shift_right_arithmetic3A_663 = arith.constant 4 : i32
      %shift_right_arithmetic3A_664 = vector.broadcast %shift_right_arithmetic3A_663 : i32 to vector<16xi32>
      %shift_right_arithmetic3A_665 = arith.shrsi %select_n3A_506, %shift_right_arithmetic3A_664 : vector<16xi32>
      %shift_right_arithmetic3A_666 = arith.constant 4 : i32
      %shift_right_arithmetic3A_667 = vector.broadcast %shift_right_arithmetic3A_666 : i32 to vector<16xi32>
      %shift_right_arithmetic3A_668 = arith.shrsi %select_n3A_508, %shift_right_arithmetic3A_667 : vector<16xi32>
      %gather3A_669 = tpu.vector_load_idx %arg11[%shift_right_arithmetic3A_665] : memref<256xf32, #tpu.memory_space<vmem>>[vector<16xi32>], vector<16xf32>,
      %gather3A_670 = tpu.vector_load_idx %arg19[%shift_right_arithmetic3A_668] : memref<256xf32, #tpu.memory_space<vmem>>[vector<16xi32>], vector<16xf32>,
      %max3A = arith.maximumf %gather3A_669, %exp3A_646 : vector<16xf32>
      %eq3A_671 = arith.constant -1 : i32
      %eq3A_672 = vector.broadcast %eq3A_671 : i32 to vector<16xi32>
      %eq3A_673 = arith.cmpi eq, %sub3A_309, %eq3A_672 : vector<16xi32>
      %and3A_674 = arith.andi %and3A_516, %eq3A_673 : vector<16xi1>
      tpu.vector_store_idx %arg11[%shift_right_arithmetic3A_665], %max3A masked %and3A_674 : memref<256xf32, #tpu.memory_space<vmem>>[vector<16xi32>], vector<16xf32>, vector<16xi1>
      %max3A_675 = arith.maximumf %gather3A_670, %exp3A_660 : vector<16xf32>
      %eq3A_676 = arith.constant -1 : i32
      %eq3A_677 = vector.broadcast %eq3A_676 : i32 to vector<16xi32>
      %eq3A_678 = arith.cmpi eq, %sub3A_309, %eq3A_677 : vector<16xi32>
      %and3A_679 = arith.andi %and3A_520, %eq3A_678 : vector<16xi1>
      tpu.vector_store_idx %arg19[%shift_right_arithmetic3A_668], %max3A_675 masked %and3A_679 : memref<256xf32, #tpu.memory_space<vmem>>[vector<16xi32>], vector<16xf32>, vector<16xi1>
      %gather3A_680 = tpu.vector_load_idx %arg11[%shift_right_arithmetic3A_665] : memref<256xf32, #tpu.memory_space<vmem>>[vector<16xi32>], vector<16xf32>,
      %gather3A_681 = tpu.vector_load_idx %arg19[%shift_right_arithmetic3A_668] : memref<256xf32, #tpu.memory_space<vmem>>[vector<16xi32>], vector<16xf32>,
      %max3A_682 = arith.maximumf %gather3A_680, %exp3A_646 : vector<16xf32>
      %eq3A_683 = arith.constant 0 : i32
      %eq3A_684 = vector.broadcast %eq3A_683 : i32 to vector<16xi32>
      %eq3A_685 = arith.cmpi eq, %sub3A_309, %eq3A_684 : vector<16xi32>
      %and3A_686 = arith.andi %and3A_516, %eq3A_685 : vector<16xi1>
      tpu.vector_store_idx %arg11[%shift_right_arithmetic3A_665], %max3A_682 masked %and3A_686 : memref<256xf32, #tpu.memory_space<vmem>>[vector<16xi32>], vector<16xf32>, vector<16xi1>
      %max3A_687 = arith.maximumf %gather3A_681, %exp3A_660 : vector<16xf32>
      %eq3A_688 = arith.constant 0 : i32
      %eq3A_689 = vector.broadcast %eq3A_688 : i32 to vector<16xi32>
      %eq3A_690 = arith.cmpi eq, %sub3A_309, %eq3A_689 : vector<16xi32>
      %and3A_691 = arith.andi %and3A_520, %eq3A_690 : vector<16xi1>
      tpu.vector_store_idx %arg19[%shift_right_arithmetic3A_668], %max3A_687 masked %and3A_691 : memref<256xf32, #tpu.memory_space<vmem>>[vector<16xi32>], vector<16xf32>, vector<16xi1>
      %gather3A_692 = tpu.vector_load_idx %arg11[%shift_right_arithmetic3A_665] : memref<256xf32, #tpu.memory_space<vmem>>[vector<16xi32>], vector<16xf32>,
      %gather3A_693 = tpu.vector_load_idx %arg19[%shift_right_arithmetic3A_668] : memref<256xf32, #tpu.memory_space<vmem>>[vector<16xi32>], vector<16xf32>,
      %max3A_694 = arith.maximumf %gather3A_692, %exp3A_646 : vector<16xf32>
      %eq3A_695 = arith.constant 1 : i32
      %eq3A_696 = vector.broadcast %eq3A_695 : i32 to vector<16xi32>
      %eq3A_697 = arith.cmpi eq, %sub3A_309, %eq3A_696 : vector<16xi32>
      %and3A_698 = arith.andi %and3A_516, %eq3A_697 : vector<16xi1>
      tpu.vector_store_idx %arg11[%shift_right_arithmetic3A_665], %max3A_694 masked %and3A_698 : memref<256xf32, #tpu.memory_space<vmem>>[vector<16xi32>], vector<16xf32>, vector<16xi1>
      %max3A_699 = arith.maximumf %gather3A_693, %exp3A_660 : vector<16xf32>
      %eq3A_700 = arith.constant 1 : i32
      %eq3A_701 = vector.broadcast %eq3A_700 : i32 to vector<16xi32>
      %eq3A_702 = arith.cmpi eq, %sub3A_309, %eq3A_701 : vector<16xi32>
      %and3A_703 = arith.andi %and3A_520, %eq3A_702 : vector<16xi1>
      tpu.vector_store_idx %arg19[%shift_right_arithmetic3A_668], %max3A_699 masked %and3A_703 : memref<256xf32, #tpu.memory_space<vmem>>[vector<16xi32>], vector<16xf32>, vector<16xi1>
      %mul3A_704 = arith.constant 16 : i32
      %mul3A_705 = vector.broadcast %mul3A_704 : i32 to vector<16xi32>
      %mul3A_706 = arith.muli %add3A_416, %mul3A_705 : vector<16xi32>
      %add3A_707 = arith.addi %mul3A_706, %iota3A : vector<16xi32>
      %gather3A_708 = tpu.vector_load_idx %arg6[%add3A_707] : memref<4096xf32, #tpu.memory_space<vmem>>[vector<16xi32>], vector<16xf32>,
      %mul3A_709 = arith.constant 16 : i32
      %mul3A_710 = vector.broadcast %mul3A_709 : i32 to vector<16xi32>
      %mul3A_711 = arith.muli %add3A_422, %mul3A_710 : vector<16xi32>
      %add3A_712 = arith.addi %mul3A_711, %iota3A : vector<16xi32>
      %gather3A_713 = tpu.vector_load_idx %arg14[%add3A_712] : memref<4096xf32, #tpu.memory_space<vmem>>[vector<16xi32>], vector<16xf32>,
      %broadcast_in_dim3A_714 = arith.constant true
      %broadcast_in_dim3A_715 = vector.broadcast %broadcast_in_dim3A_714 : i1 to vector<16xi1>
      %masked_cummax3A = tpu.scan <max>, %gather3A_708 masked %broadcast_in_dim3A_715 : vector<16xf32>, vector<16xi1> -> vector<16xf32>
      %broadcast_in_dim3A_716 = arith.constant true
      %broadcast_in_dim3A_717 = vector.broadcast %broadcast_in_dim3A_716 : i1 to vector<16xi1>
      %masked_cummax3A_718 = tpu.scan <max>, %gather3A_713 masked %broadcast_in_dim3A_717 : vector<16xf32>, vector<16xi1> -> vector<16xf32>
      tpu.vector_store_idx %arg11[%add3A_416], %masked_cummax3A masked %eq3A_5 : memref<256xf32, #tpu.memory_space<vmem>>[vector<16xi32>], vector<16xf32>, vector<16xi1>
      tpu.vector_store_idx %arg19[%add3A_422], %masked_cummax3A_718 masked %eq3A_5 : memref<256xf32, #tpu.memory_space<vmem>>[vector<16xi32>], vector<16xf32>, vector<16xi1>
      %sub3A_719 = arith.constant 1 : i32
      %sub3A_720 = vector.broadcast %sub3A_719 : i32 to vector<16xi32>
      %sub3A_721 = arith.subi %shift_right_arithmetic3A_447, %sub3A_720 : vector<16xi32>
      %max3A_722 = arith.constant 0 : i32
      %max3A_723 = vector.broadcast %max3A_722 : i32 to vector<16xi32>
      %max3A_724 = arith.maxsi %sub3A_721, %max3A_723 : vector<16xi32>
      %add3A_725 = arith.constant 1 : i32
      %add3A_726 = vector.broadcast %add3A_725 : i32 to vector<16xi32>
      %add3A_727 = arith.addi %shift_right_arithmetic3A_447, %add3A_726 : vector<16xi32>
      %min3A_728 = arith.constant 63 : i32
      %min3A_729 = vector.broadcast %min3A_728 : i32 to vector<16xi32>
      %min3A_730 = arith.minsi %add3A_727, %min3A_729 : vector<16xi32>
      %sub3A_731 = arith.constant 1 : i32
      %sub3A_732 = vector.broadcast %sub3A_731 : i32 to vector<16xi32>
      %sub3A_733 = arith.subi %and3A_453, %sub3A_732 : vector<16xi32>
      %max3A_734 = arith.constant 0 : i32
      %max3A_735 = vector.broadcast %max3A_734 : i32 to vector<16xi32>
      %max3A_736 = arith.maxsi %sub3A_733, %max3A_735 : vector<16xi32>
      %shift_right_arithmetic3A_737 = arith.constant 4 : i32
      %shift_right_arithmetic3A_738 = vector.broadcast %shift_right_arithmetic3A_737 : i32 to vector<16xi32>
      %shift_right_arithmetic3A_739 = arith.shrsi %max3A_736, %shift_right_arithmetic3A_738 : vector<16xi32>
      %mul3A_740 = arith.constant 4 : i32
      %mul3A_741 = vector.broadcast %mul3A_740 : i32 to vector<16xi32>
      %mul3A_742 = arith.muli %max3A_724, %mul3A_741 : vector<16xi32>
      %add3A_743 = arith.addi %shift_right_arithmetic3A_739, %mul3A_742 : vector<16xi32>
      %add3A_744 = arith.constant 1 : i32
      %add3A_745 = vector.broadcast %add3A_744 : i32 to vector<16xi32>
      %add3A_746 = arith.addi %and3A_453, %add3A_745 : vector<16xi32>
      %min3A_747 = arith.constant 63 : i32
      %min3A_748 = vector.broadcast %min3A_747 : i32 to vector<16xi32>
      %min3A_749 = arith.minsi %add3A_746, %min3A_748 : vector<16xi32>
      %shift_right_arithmetic3A_750 = arith.constant 4 : i32
      %shift_right_arithmetic3A_751 = vector.broadcast %shift_right_arithmetic3A_750 : i32 to vector<16xi32>
      %shift_right_arithmetic3A_752 = arith.shrsi %min3A_749, %shift_right_arithmetic3A_751 : vector<16xi32>
      %mul3A_753 = arith.constant 4 : i32
      %mul3A_754 = vector.broadcast %mul3A_753 : i32 to vector<16xi32>
      %mul3A_755 = arith.muli %min3A_730, %mul3A_754 : vector<16xi32>
      %add3A_756 = arith.addi %shift_right_arithmetic3A_752, %mul3A_755 : vector<16xi32>
      %shift_right_arithmetic3A_757 = arith.constant 4 : i32
      %shift_right_arithmetic3A_758 = vector.broadcast %shift_right_arithmetic3A_757 : i32 to vector<16xi32>
      %shift_right_arithmetic3A_759 = arith.shrsi %add3A_743, %shift_right_arithmetic3A_758 : vector<16xi32>
      %shift_right_arithmetic3A_760 = arith.constant 4 : i32
      %shift_right_arithmetic3A_761 = vector.broadcast %shift_right_arithmetic3A_760 : i32 to vector<16xi32>
      %shift_right_arithmetic3A_762 = arith.shrsi %add3A_756, %shift_right_arithmetic3A_761 : vector<16xi32>
      %sub3A_763 = arith.constant 1 : i32
      %sub3A_764 = vector.broadcast %sub3A_763 : i32 to vector<16xi32>
      %sub3A_765 = arith.subi %shift_right_arithmetic3A_450, %sub3A_764 : vector<16xi32>
      %max3A_766 = arith.constant 0 : i32
      %max3A_767 = vector.broadcast %max3A_766 : i32 to vector<16xi32>
      %max3A_768 = arith.maxsi %sub3A_765, %max3A_767 : vector<16xi32>
      %add3A_769 = arith.constant 1 : i32
      %add3A_770 = vector.broadcast %add3A_769 : i32 to vector<16xi32>
      %add3A_771 = arith.addi %shift_right_arithmetic3A_450, %add3A_770 : vector<16xi32>
      %min3A_772 = arith.constant 63 : i32
      %min3A_773 = vector.broadcast %min3A_772 : i32 to vector<16xi32>
      %min3A_774 = arith.minsi %add3A_771, %min3A_773 : vector<16xi32>
      %sub3A_775 = arith.constant 1 : i32
      %sub3A_776 = vector.broadcast %sub3A_775 : i32 to vector<16xi32>
      %sub3A_777 = arith.subi %and3A_456, %sub3A_776 : vector<16xi32>
      %max3A_778 = arith.constant 0 : i32
      %max3A_779 = vector.broadcast %max3A_778 : i32 to vector<16xi32>
      %max3A_780 = arith.maxsi %sub3A_777, %max3A_779 : vector<16xi32>
      %shift_right_arithmetic3A_781 = arith.constant 4 : i32
      %shift_right_arithmetic3A_782 = vector.broadcast %shift_right_arithmetic3A_781 : i32 to vector<16xi32>
      %shift_right_arithmetic3A_783 = arith.shrsi %max3A_780, %shift_right_arithmetic3A_782 : vector<16xi32>
      %mul3A_784 = arith.constant 4 : i32
      %mul3A_785 = vector.broadcast %mul3A_784 : i32 to vector<16xi32>
      %mul3A_786 = arith.muli %max3A_768, %mul3A_785 : vector<16xi32>
      %add3A_787 = arith.addi %shift_right_arithmetic3A_783, %mul3A_786 : vector<16xi32>
      %add3A_788 = arith.constant 1 : i32
      %add3A_789 = vector.broadcast %add3A_788 : i32 to vector<16xi32>
      %add3A_790 = arith.addi %and3A_456, %add3A_789 : vector<16xi32>
      %min3A_791 = arith.constant 63 : i32
      %min3A_792 = vector.broadcast %min3A_791 : i32 to vector<16xi32>
      %min3A_793 = arith.minsi %add3A_790, %min3A_792 : vector<16xi32>
      %shift_right_arithmetic3A_794 = arith.constant 4 : i32
      %shift_right_arithmetic3A_795 = vector.broadcast %shift_right_arithmetic3A_794 : i32 to vector<16xi32>
      %shift_right_arithmetic3A_796 = arith.shrsi %min3A_793, %shift_right_arithmetic3A_795 : vector<16xi32>
      %mul3A_797 = arith.constant 4 : i32
      %mul3A_798 = vector.broadcast %mul3A_797 : i32 to vector<16xi32>
      %mul3A_799 = arith.muli %min3A_774, %mul3A_798 : vector<16xi32>
      %add3A_800 = arith.addi %shift_right_arithmetic3A_796, %mul3A_799 : vector<16xi32>
      %shift_right_arithmetic3A_801 = arith.constant 4 : i32
      %shift_right_arithmetic3A_802 = vector.broadcast %shift_right_arithmetic3A_801 : i32 to vector<16xi32>
      %shift_right_arithmetic3A_803 = arith.shrsi %add3A_787, %shift_right_arithmetic3A_802 : vector<16xi32>
      %shift_right_arithmetic3A_804 = arith.constant 4 : i32
      %shift_right_arithmetic3A_805 = vector.broadcast %shift_right_arithmetic3A_804 : i32 to vector<16xi32>
      %shift_right_arithmetic3A_806 = arith.shrsi %add3A_800, %shift_right_arithmetic3A_805 : vector<16xi32>
      %mul3A_807 = arith.constant 16 : i32
      %mul3A_808 = vector.broadcast %mul3A_807 : i32 to vector<16xi32>
      %mul3A_809 = arith.muli %shift_right_arithmetic3A_759, %mul3A_808 : vector<16xi32>
      %add3A_810 = arith.addi %mul3A_809, %iota3A : vector<16xi32>
      %gather3A_811 = tpu.vector_load_idx %arg11[%add3A_810] : memref<256xf32, #tpu.memory_space<vmem>>[vector<16xi32>], vector<16xf32>,
      %mul3A_812 = arith.constant 16 : i32
      %mul3A_813 = vector.broadcast %mul3A_812 : i32 to vector<16xi32>
      %mul3A_814 = arith.muli %shift_right_arithmetic3A_803, %mul3A_813 : vector<16xi32>
      %add3A_815 = arith.addi %mul3A_814, %iota3A : vector<16xi32>
      %gather3A_816 = tpu.vector_load_idx %arg19[%add3A_815] : memref<256xf32, #tpu.memory_space<vmem>>[vector<16xi32>], vector<16xf32>,
      %broadcast_in_dim3A_817 = arith.constant true
      %broadcast_in_dim3A_818 = vector.broadcast %broadcast_in_dim3A_817 : i1 to vector<16xi1>
      %masked_cummax3A_819 = tpu.scan <max>, %gather3A_811 masked %broadcast_in_dim3A_818 : vector<16xf32>, vector<16xi1> -> vector<16xf32>
      %broadcast_in_dim3A_820 = arith.constant true
      %broadcast_in_dim3A_821 = vector.broadcast %broadcast_in_dim3A_820 : i1 to vector<16xi1>
      %masked_cummax3A_822 = tpu.scan <max>, %gather3A_816 masked %broadcast_in_dim3A_821 : vector<16xf32>, vector<16xi1> -> vector<16xf32>
      tpu.vector_store_idx %arg12[%shift_right_arithmetic3A_759], %masked_cummax3A_819 masked %eq3A_5 : memref<16xf32, #tpu.memory_space<vmem>>[vector<16xi32>], vector<16xf32>, vector<16xi1>
      tpu.vector_store_idx %arg20[%shift_right_arithmetic3A_803], %masked_cummax3A_822 masked %eq3A_5 : memref<16xf32, #tpu.memory_space<vmem>>[vector<16xi32>], vector<16xf32>, vector<16xi1>
      %mul3A_823 = arith.constant 16 : i32
      %mul3A_824 = vector.broadcast %mul3A_823 : i32 to vector<16xi32>
      %mul3A_825 = arith.muli %shift_right_arithmetic3A_762, %mul3A_824 : vector<16xi32>
      %add3A_826 = arith.addi %mul3A_825, %iota3A : vector<16xi32>
      %gather3A_827 = tpu.vector_load_idx %arg11[%add3A_826] : memref<256xf32, #tpu.memory_space<vmem>>[vector<16xi32>], vector<16xf32>,
      %mul3A_828 = arith.constant 16 : i32
      %mul3A_829 = vector.broadcast %mul3A_828 : i32 to vector<16xi32>
      %mul3A_830 = arith.muli %shift_right_arithmetic3A_806, %mul3A_829 : vector<16xi32>
      %add3A_831 = arith.addi %mul3A_830, %iota3A : vector<16xi32>
      %gather3A_832 = tpu.vector_load_idx %arg19[%add3A_831] : memref<256xf32, #tpu.memory_space<vmem>>[vector<16xi32>], vector<16xf32>,
      %broadcast_in_dim3A_833 = arith.constant true
      %broadcast_in_dim3A_834 = vector.broadcast %broadcast_in_dim3A_833 : i1 to vector<16xi1>
      %masked_cummax3A_835 = tpu.scan <max>, %gather3A_827 masked %broadcast_in_dim3A_834 : vector<16xf32>, vector<16xi1> -> vector<16xf32>
      %broadcast_in_dim3A_836 = arith.constant true
      %broadcast_in_dim3A_837 = vector.broadcast %broadcast_in_dim3A_836 : i1 to vector<16xi1>
      %masked_cummax3A_838 = tpu.scan <max>, %gather3A_832 masked %broadcast_in_dim3A_837 : vector<16xf32>, vector<16xi1> -> vector<16xf32>
      tpu.vector_store_idx %arg12[%shift_right_arithmetic3A_762], %masked_cummax3A_835 masked %eq3A_5 : memref<16xf32, #tpu.memory_space<vmem>>[vector<16xi32>], vector<16xf32>, vector<16xi1>
      tpu.vector_store_idx %arg20[%shift_right_arithmetic3A_806], %masked_cummax3A_838 masked %eq3A_5 : memref<16xf32, #tpu.memory_space<vmem>>[vector<16xi32>], vector<16xf32>, vector<16xi1>
      %scan3A_839 = arith.constant 0 : i32
      scf.yield %scan3A_839 : i32
    }
    %scan3A_327 = arith.constant 204 : i32
    tpu.vector_store_idx %arg10[%broadcast_in_dim3A_31], %broadcast_in_dim3A_8 masked %eq3A_2 : memref<4096xi32, #tpu.memory_space<vmem>>[vector<16xi32>], vector<16xi32>, vector<16xi1>
    tpu.vector_store_idx %arg18[%broadcast_in_dim3A_31], %broadcast_in_dim3A_8 masked %eq3A_2 : memref<4096xi32, #tpu.memory_space<vmem>>[vector<16xi32>], vector<16xi32>, vector<16xi1>
    %gather3A_328 = tpu.vector_load_idx %arg9[%broadcast_in_dim3A_31] : memref<4096xi32, #tpu.memory_space<vmem>>[vector<16xi32>], vector<16xi32>,
    %gather3A_329 = tpu.vector_load_idx %arg17[%broadcast_in_dim3A_31] : memref<4096xi32, #tpu.memory_space<vmem>>[vector<16xi32>], vector<16xi32>,
    %scan3A_330 = arith.constant 0 : i32
    %scan3A_331 = arith.constant 204 : i32
    %scan3A_332 = arith.addi %scan3A_330, %scan3A_331 : i32
    %scan3A_333 = arith.constant 1 : i32
    %scan3A_334:2 = scf.for %scan3A_384 = %scan3A_330 to %scan3A_332 step %scan3A_333 iter_args(%scan3A_385 = %gather3A_328, %scan3A_386 = %gather3A_329) -> (vector<16xi32>, vector<16xi32>)  : i32 {
      tpu.vector_store_idx %arg10[%scan3A_385], %broadcast_in_dim3A_8 masked %eq3A_2 : memref<4096xi32, #tpu.memory_space<vmem>>[vector<16xi32>], vector<16xi32>, vector<16xi1>
      %gather3A_387 = tpu.vector_load_idx %arg9[%scan3A_385] : memref<4096xi32, #tpu.memory_space<vmem>>[vector<16xi32>], vector<16xi32>,
      tpu.vector_store_idx %arg18[%scan3A_386], %broadcast_in_dim3A_8 masked %eq3A_2 : memref<4096xi32, #tpu.memory_space<vmem>>[vector<16xi32>], vector<16xi32>, vector<16xi1>
      %gather3A_388 = tpu.vector_load_idx %arg17[%scan3A_386] : memref<4096xi32, #tpu.memory_space<vmem>>[vector<16xi32>], vector<16xi32>,
      scf.yield %gather3A_387, %gather3A_388 : vector<16xi32>, vector<16xi32>
    }
    %scan3A_335 = arith.constant 204 : i32
    %dma_start3A_336 = arith.constant 0 : i32
    %dma_start3A_337 = tpu.memref_slice %arg3[%add3A_14, %dma_start3A_336] : memref<64x4096xf32, #tpu.memory_space<hbm>> -> memref<1x4096xf32, #tpu.memory_space<hbm>>
    %dma_start3A_338 = tpu.memref_squeeze %dma_start3A_337 : memref<1x4096xf32, #tpu.memory_space<hbm>> -> memref<4096xf32, #tpu.memory_space<hbm>>
    %dma_start3A_339 = arith.constant 0 : i32
    %dma_start3A_340 = tpu.memref_slice %arg3[%add3A_14, %dma_start3A_339] : memref<64x4096xf32, #tpu.memory_space<hbm>> -> memref<1x4096xf32, #tpu.memory_space<hbm>>
    %dma_start3A_341 = tpu.memref_squeeze %dma_start3A_340 : memref<1x4096xf32, #tpu.memory_space<hbm>> -> memref<4096xf32, #tpu.memory_space<hbm>>
    tpu.enqueue_dma source(%arg8 : memref<4096xf32, #tpu.memory_space<vmem>>) target(%dma_start3A_341 : memref<4096xf32, #tpu.memory_space<hbm>>) target_semaphore(%arg21 : memref<!tpu.dma_semaphore, #tpu.memory_space<semaphore_mem>>)
    %dma_start3A_342 = arith.constant 0 : i32
    %dma_start3A_343 = tpu.memref_slice %arg4[%add3A_14, %dma_start3A_342] : memref<64x4096xi32, #tpu.memory_space<hbm>> -> memref<1x4096xi32, #tpu.memory_space<hbm>>
    %dma_start3A_344 = tpu.memref_squeeze %dma_start3A_343 : memref<1x4096xi32, #tpu.memory_space<hbm>> -> memref<4096xi32, #tpu.memory_space<hbm>>
    %dma_start3A_345 = arith.constant 0 : i32
    %dma_start3A_346 = tpu.memref_slice %arg4[%add3A_14, %dma_start3A_345] : memref<64x4096xi32, #tpu.memory_space<hbm>> -> memref<1x4096xi32, #tpu.memory_space<hbm>>
    %dma_start3A_347 = tpu.memref_squeeze %dma_start3A_346 : memref<1x4096xi32, #tpu.memory_space<hbm>> -> memref<4096xi32, #tpu.memory_space<hbm>>
    tpu.enqueue_dma source(%arg10 : memref<4096xi32, #tpu.memory_space<vmem>>) target(%dma_start3A_347 : memref<4096xi32, #tpu.memory_space<hbm>>) target_semaphore(%arg21 : memref<!tpu.dma_semaphore, #tpu.memory_space<semaphore_mem>>)
    %dma_start3A_348 = arith.constant 0 : i32
    %dma_start3A_349 = tpu.memref_slice %arg3[%add3A_18, %dma_start3A_348] : memref<64x4096xf32, #tpu.memory_space<hbm>> -> memref<1x4096xf32, #tpu.memory_space<hbm>>
    %dma_start3A_350 = tpu.memref_squeeze %dma_start3A_349 : memref<1x4096xf32, #tpu.memory_space<hbm>> -> memref<4096xf32, #tpu.memory_space<hbm>>
    %dma_start3A_351 = arith.constant 0 : i32
    %dma_start3A_352 = tpu.memref_slice %arg3[%add3A_18, %dma_start3A_351] : memref<64x4096xf32, #tpu.memory_space<hbm>> -> memref<1x4096xf32, #tpu.memory_space<hbm>>
    %dma_start3A_353 = tpu.memref_squeeze %dma_start3A_352 : memref<1x4096xf32, #tpu.memory_space<hbm>> -> memref<4096xf32, #tpu.memory_space<hbm>>
    tpu.enqueue_dma source(%arg16 : memref<4096xf32, #tpu.memory_space<vmem>>) target(%dma_start3A_353 : memref<4096xf32, #tpu.memory_space<hbm>>) target_semaphore(%arg21 : memref<!tpu.dma_semaphore, #tpu.memory_space<semaphore_mem>>)
    %dma_start3A_354 = arith.constant 0 : i32
    %dma_start3A_355 = tpu.memref_slice %arg4[%add3A_18, %dma_start3A_354] : memref<64x4096xi32, #tpu.memory_space<hbm>> -> memref<1x4096xi32, #tpu.memory_space<hbm>>
    %dma_start3A_356 = tpu.memref_squeeze %dma_start3A_355 : memref<1x4096xi32, #tpu.memory_space<hbm>> -> memref<4096xi32, #tpu.memory_space<hbm>>
    %dma_start3A_357 = arith.constant 0 : i32
    %dma_start3A_358 = tpu.memref_slice %arg4[%add3A_18, %dma_start3A_357] : memref<64x4096xi32, #tpu.memory_space<hbm>> -> memref<1x4096xi32, #tpu.memory_space<hbm>>
    %dma_start3A_359 = tpu.memref_squeeze %dma_start3A_358 : memref<1x4096xi32, #tpu.memory_space<hbm>> -> memref<4096xi32, #tpu.memory_space<hbm>>
    tpu.enqueue_dma source(%arg18 : memref<4096xi32, #tpu.memory_space<vmem>>) target(%dma_start3A_359 : memref<4096xi32, #tpu.memory_space<hbm>>) target_semaphore(%arg21 : memref<!tpu.dma_semaphore, #tpu.memory_space<semaphore_mem>>)
    %dma_wait3A_360 = arith.constant 0 : i32
    %dma_wait3A_361 = tpu.memref_slice %arg3[%add3A_14, %dma_wait3A_360] : memref<64x4096xf32, #tpu.memory_space<hbm>> -> memref<1x4096xf32, #tpu.memory_space<hbm>>
    %dma_wait3A_362 = tpu.memref_squeeze %dma_wait3A_361 : memref<1x4096xf32, #tpu.memory_space<hbm>> -> memref<4096xf32, #tpu.memory_space<hbm>>
    %dma_wait3A_363 = arith.constant 0 : i32
    %dma_wait3A_364 = tpu.memref_slice %arg3[%add3A_14, %dma_wait3A_363] : memref<64x4096xf32, #tpu.memory_space<hbm>> -> memref<1x4096xf32, #tpu.memory_space<hbm>>
    %dma_wait3A_365 = tpu.memref_squeeze %dma_wait3A_364 : memref<1x4096xf32, #tpu.memory_space<hbm>> -> memref<4096xf32, #tpu.memory_space<hbm>>
    tpu.wait_dma2 semaphore(%arg21 : memref<!tpu.dma_semaphore, #tpu.memory_space<semaphore_mem>>) src(%arg8 : memref<4096xf32, #tpu.memory_space<vmem>>) dst(%dma_wait3A_365 : memref<4096xf32, #tpu.memory_space<hbm>>)
    %dma_wait3A_366 = arith.constant 0 : i32
    %dma_wait3A_367 = tpu.memref_slice %arg4[%add3A_14, %dma_wait3A_366] : memref<64x4096xi32, #tpu.memory_space<hbm>> -> memref<1x4096xi32, #tpu.memory_space<hbm>>
    %dma_wait3A_368 = tpu.memref_squeeze %dma_wait3A_367 : memref<1x4096xi32, #tpu.memory_space<hbm>> -> memref<4096xi32, #tpu.memory_space<hbm>>
    %dma_wait3A_369 = arith.constant 0 : i32
    %dma_wait3A_370 = tpu.memref_slice %arg4[%add3A_14, %dma_wait3A_369] : memref<64x4096xi32, #tpu.memory_space<hbm>> -> memref<1x4096xi32, #tpu.memory_space<hbm>>
    %dma_wait3A_371 = tpu.memref_squeeze %dma_wait3A_370 : memref<1x4096xi32, #tpu.memory_space<hbm>> -> memref<4096xi32, #tpu.memory_space<hbm>>
    tpu.wait_dma2 semaphore(%arg21 : memref<!tpu.dma_semaphore, #tpu.memory_space<semaphore_mem>>) src(%arg10 : memref<4096xi32, #tpu.memory_space<vmem>>) dst(%dma_wait3A_371 : memref<4096xi32, #tpu.memory_space<hbm>>)
    %dma_wait3A_372 = arith.constant 0 : i32
    %dma_wait3A_373 = tpu.memref_slice %arg3[%add3A_18, %dma_wait3A_372] : memref<64x4096xf32, #tpu.memory_space<hbm>> -> memref<1x4096xf32, #tpu.memory_space<hbm>>
    %dma_wait3A_374 = tpu.memref_squeeze %dma_wait3A_373 : memref<1x4096xf32, #tpu.memory_space<hbm>> -> memref<4096xf32, #tpu.memory_space<hbm>>
    %dma_wait3A_375 = arith.constant 0 : i32
    %dma_wait3A_376 = tpu.memref_slice %arg3[%add3A_18, %dma_wait3A_375] : memref<64x4096xf32, #tpu.memory_space<hbm>> -> memref<1x4096xf32, #tpu.memory_space<hbm>>
    %dma_wait3A_377 = tpu.memref_squeeze %dma_wait3A_376 : memref<1x4096xf32, #tpu.memory_space<hbm>> -> memref<4096xf32, #tpu.memory_space<hbm>>
    tpu.wait_dma2 semaphore(%arg21 : memref<!tpu.dma_semaphore, #tpu.memory_space<semaphore_mem>>) src(%arg16 : memref<4096xf32, #tpu.memory_space<vmem>>) dst(%dma_wait3A_377 : memref<4096xf32, #tpu.memory_space<hbm>>)
    %dma_wait3A_378 = arith.constant 0 : i32
    %dma_wait3A_379 = tpu.memref_slice %arg4[%add3A_18, %dma_wait3A_378] : memref<64x4096xi32, #tpu.memory_space<hbm>> -> memref<1x4096xi32, #tpu.memory_space<hbm>>
    %dma_wait3A_380 = tpu.memref_squeeze %dma_wait3A_379 : memref<1x4096xi32, #tpu.memory_space<hbm>> -> memref<4096xi32, #tpu.memory_space<hbm>>
    %dma_wait3A_381 = arith.constant 0 : i32
    %dma_wait3A_382 = tpu.memref_slice %arg4[%add3A_18, %dma_wait3A_381] : memref<64x4096xi32, #tpu.memory_space<hbm>> -> memref<1x4096xi32, #tpu.memory_space<hbm>>
    %dma_wait3A_383 = tpu.memref_squeeze %dma_wait3A_382 : memref<1x4096xi32, #tpu.memory_space<hbm>> -> memref<4096xi32, #tpu.memory_space<hbm>>
    tpu.wait_dma2 semaphore(%arg21 : memref<!tpu.dma_semaphore, #tpu.memory_space<semaphore_mem>>) src(%arg18 : memref<4096xi32, #tpu.memory_space<vmem>>) dst(%dma_wait3A_383 : memref<4096xi32, #tpu.memory_space<hbm>>)
    return
  }
}

</mosaic_0001>

<sc_bundles>
// kernel: kernel.3.cloned.1.call-start
scs
__scs_entry_jumppad:
0x0: {  	(pc) =	sbr.rel $0x88, $3  }
0x1: {  	(tag) =	ssettag $0x0;
	lr =	simm.s32 $0x1  }
0x2: {  	[smem:$0x3FA0] =	sst lr;
	_ =	strace $0xD0000000  }
0x3: {  	_ = 	snop  }
0x4: {  	_ = 	snop  }
0x5: {  	_ = 	snop  }
0x6: {  	_ = 	snop  }
0x7: {  	_ = 	snop  }
__scs_overlays_trampoline_lowered:
0x8: {  	[smem:$0x3FAF] =	sst s0  }
0x9: {  	[smem:$0x3FB0] =	sst s1  }
0xa: {  	[smem:$0x3FB1] =	sst s2  }
0xb: {  	[smem:$0x3FB2] =	sst s3  }
0xc: {  	[smem:$0x3FB3] =	sst s4  }
0xd: {  	[smem:$0x3FB4] =	sst s5  }
0xe: {  	[smem:$0x3FB5] =	sst s6  }
0xf: {  	[smem:$0x3FB6] =	sst s7  }
0x10: {  	[smem:$0x3FB7] =	sst s8  }
0x11: {  	[smem:$0x3FB8] =	sst s9;
	s0 =	simm.s32 @!p0 $0x0  }
0x12: {  	s1 =	sld [smem:$0x3F9E];
	s0 =	simm.s32 @p0 $0x1  }
0x13: {  	[smem:$0x3FB9] =	sst s0;
	s0 =	simm.s32 @!p1 $0x0  }
0x14: {  	s2 =	sld [smem:$0x3F9D];
	s0 =	simm.s32 @p1 $0x1  }
0x15: {  	[smem:$0x3FBA] =	sst s0;
	s0 =	simm.s32 @!p2 $0x0  }
0x16: {  	s3 =	sld [smem:$0x3FDB];
	s0 =	simm.s32 @p2 $0x1  }
0x17: {  	s4 =	simm.s32 $0x1BF5;
	[smem:$0x3FBC] =	sst s0  }
0x18: {  	s0 =	sld [smem:$0x3F9F];
	_ =	swait.ge [sflag:s4], $0x0  }
0x19: {  	s7 =	sld [smem:$0x3FA0]  }
0x1a: {  	s8 =	sadd.s32 $0xFFFFE003, lr  }
0x1b: {  	s9 =	sadd.s32 $0xFFFFFEF7, lr;
	s5 =	simm.s32 $0xFFFFFFFF;
	p2 =	slt.u32 s8, $0xFFFFF086  }
0x1c: {  	p1 =	slt.u32 s9, $0xF7A;
	s5 =	simm.s32 @!p2 $0x0  }
0x1d: {  	s5 =	simm.s32 @p1 $0x1;
	p0 =	seq.s32 s7, s2  }
0x1e: {  	s7 =	smul.u32 @!p0 $0xF7A, s2;
	p2 =	seq.s32 @!p0 s5, $0x0  }
0x1f: {  	s9 =	smul.u32 $0xF7A, s1;
	s8 =	simm.s32 @!p0 $0x1BF5;
	p2 =	por !p2, p0  }
0x20: {  	[sflag:s8] =	ssyncset.s32 @!p0 $0xFFFFF086;
	s6 =	sadd.s32 @!p0 s3, s7;
	s7 =	simm.s32 @!p0 $0x108  }
0x21: {  	s3 =	sadd.s32 s3, s9;
	s6 =	sadd.s32 @!p0 $0x88, s6;
	s7 =	simm.s32 @p2 $0x1082  }
0x22: {  	[simem:s7], [sflag:s8] =	dma.local @!p0 [hbm:s6], $0xF7A  }
0x23: {  	s9 =	sor.u32 $0xD0000000, s2;
	s6 =	simm.s32 $0x108;
	_ =	swait.ge @!p0 [sflag:s8], $0x0  }
0x24: {  	s3 =	sadd.s32 $0x88, s3;
	s6 =	simm.s32 @!p1 $0x1082;
	[sflag:s4] =	ssyncset.s32 $0xFFFFF086  }
0x25: {  	[simem:s6], [sflag:s4] =	dma.local [hbm:s3], $0xF7A  }
0x26: {  	[smem:$0x3FA0] =	sst s1;
	(tag) =	ssettag s2;
	_ =	strace s9  }
0x27: {  	s1 =	sld [smem:$0x3FB0]  }
0x28: {  	s2 =	sld [smem:$0x3FB1]  }
0x29: {  	s4 =	sld [smem:$0x3FB3]  }
0x2a: {  	p0 =	seq.s32 s5, $0x0;
	s5 =	sld [smem:$0x3FB4]  }
0x2b: {  	s6 =	sld [smem:$0x3FB5]  }
0x2c: {  	s7 =	sld [smem:$0x3FB6]  }
0x2d: {  	s3 =	simm.s32 $0x108;
	s8 =	sld [smem:$0x3FB7]  }
0x2e: {  	s3 =	simm.s32 @!p0 $0x1082;
	s9 =	sld [smem:$0x3FB8]  }
0x2f: {  	lr =	sadd.s32 s0, s3;
	s0 =	sld [smem:$0x3FAF]  }
0x30: {  	s3 =	sld [smem:$0x3FB2]  }
0x31: {  	[smem:$0x3FBB] =	sst s10  }
0x32: {  	s10 =	sld [smem:$0x3FB9];
	_ =	sdelay $0x3  }
0x33: {  	p0 =	seq.s32 s10, $0x1;
	s10 =	sld [smem:$0x3FBB];
	_ =	sdelay $0x3  }
0x34: {  	[smem:$0x3FBB] =	sst s10  }
0x35: {  	s10 =	sld [smem:$0x3FBA];
	_ =	sdelay $0x3  }
0x36: {  	p1 =	seq.s32 s10, $0x1;
	s10 =	sld [smem:$0x3FBB];
	_ =	sdelay $0x3  }
0x37: {  	[smem:$0x3FBB] =	sst s10  }
0x38: {  	s10 =	sld [smem:$0x3FBC]  }
0x39: {  	_ = 	snop;
	(pc) =	sbr.ind lr, $3  }
0x3a: {  	_ = 	snop  }
0x3b: {  	_ = 	snop  }
0x3c: {  	p2 =	seq.s32 s10, $0x1;
	s10 =	sld [smem:$0x3FBB]  }
0x3d: {  	_ =	shalt  }
0x3e: {  	_ =	shalt  }
0x3f: {  	_ =	shalt  }
0x40: {  	_ =	shalt  }
0x41: {  	_ =	shalt  }
0x42: {  	_ =	shalt  }
0x43: {  	_ =	shalt  }
0x44: {  	_ =	shalt  }
0x45: {  	_ =	shalt  }
0x46: {  	_ =	shalt  }
0x47: {  	_ =	shalt  }
0x48: {  	_ =	shalt  }
0x49: {  	_ =	shalt  }
0x4a: {  	_ =	shalt  }
0x4b: {  	_ =	shalt  }
0x4c: {  	_ =	shalt  }
0x4d: {  	_ =	shalt  }
0x4e: {  	_ =	shalt  }
0x4f: {  	_ =	shalt  }
0x50: {  	_ =	shalt  }
0x51: {  	_ =	shalt  }
0x52: {  	_ =	shalt  }
0x53: {  	_ =	shalt  }
0x54: {  	_ =	shalt  }
0x55: {  	_ =	shalt  }
0x56: {  	_ =	shalt  }
0x57: {  	_ =	shalt  }
0x58: {  	_ =	shalt  }
0x59: {  	_ =	shalt  }
0x5a: {  	_ =	shalt  }
0x5b: {  	_ =	shalt  }
0x5c: {  	_ =	shalt  }
0x5d: {  	_ =	shalt  }
0x5e: {  	_ =	shalt  }
0x5f: {  	_ =	shalt  }
0x60: {  	_ =	shalt  }
0x61: {  	_ =	shalt  }
0x62: {  	_ =	shalt  }
0x63: {  	_ =	shalt  }
0x64: {  	_ =	shalt  }
0x65: {  	_ =	shalt  }
0x66: {  	_ =	shalt  }
0x67: {  	_ =	shalt  }
0x68: {  	_ =	shalt  }
0x69: {  	_ =	shalt  }
0x6a: {  	_ =	shalt  }
0x6b: {  	_ =	shalt  }
0x6c: {  	_ =	shalt  }
0x6d: {  	_ =	shalt  }
0x6e: {  	_ =	shalt  }
0x6f: {  	_ =	shalt  }
0x70: {  	_ =	shalt  }
0x71: {  	_ =	shalt  }
0x72: {  	_ =	shalt  }
0x73: {  	_ =	shalt  }
0x74: {  	_ =	shalt  }
0x75: {  	_ =	shalt  }
0x76: {  	_ =	shalt  }
0x77: {  	_ =	shalt  }
0x78: {  	_ =	shalt  }
0x79: {  	_ =	shalt  }
0x7a: {  	_ =	shalt  }
0x7b: {  	_ =	shalt  }
0x7c: {  	_ =	shalt  }
0x7d: {  	_ =	shalt  }
0x7e: {  	_ =	shalt  }
0x7f: {  	_ =	shalt  }
0x80: {  	_ =	shalt  }
0x81: {  	_ =	shalt  }
0x82: {  	_ =	shalt  }
0x83: {  	_ =	shalt  }
0x84: {  	_ =	shalt  }
0x85: {  	_ =	shalt  }
0x86: {  	_ =	shalt  }
0x87: {  	_ =	shalt  }
.Lfunc_end0:
.L_simem_size_0:
called_computation_lowered:
.L_overlay_start_0:
0x88: {  	s2 =	sld [smem:$0x3FD9]  }
0x89: {  	s3 =	sld [smem:$0x3FFE];
	_ =	sdelay $0x1  }
0x8a: {  	s1 =	srdreg.scid  }
0x8b: {  	s0 =	sand.u32 $0x1, s1  }
0x8c: {  	s14 =	sshll.u32 s0, $0xA;
	s2 =	sadd.s32 s3, s2  }
0x8d: {  	s2 =	sadd.s32 s2, s14  }
0x8e: {  	[smem:$0x3FC7] =	sst s2  }
0x8f: {  	_ = 	snop  }
0x90: {  	s2 =	sld [smem:$0x3FD0];
	_ =	sdelay $0x2  }
0x91: {  	s15 =	simm.s32 $0xA;
	s4 =	simm.s32 $0x10  }
0x92: {  	[smem:s4], [sflag:s15] =	dma.local [hbm:s2], $0x1  }
0x93: {  	_ =	swait.eq [sflag:s15], $0x1  }
0x94: {  	[sflag:s15] =	ssyncset.done $0x0  }
0x95: {  	[sflag:s15] =	ssyncadd.s32 $0xFFFFFFFF  }
0x96: {  	s16 =	sld [smem:$0x11];
	(tm) =	ssettm $0x1  }
0x97: {  	s17 =	sld [smem:$0x3FFB];
	_ =	sdelay $0x3  }
0x98: {  	_ =	strace s17  }
0x99: {  	s3 =	sld [smem:$0x3FFC];
	_ =	sdelay $0x3  }
0x9a: {  	_ =	strace s3  }
0x9b: {  	s3 =	sld [smem:$0x3FFD];
	_ =	sdelay $0x3  }
0x9c: {  	_ =	strace s3  }
0x9d: {  	_ =	strace $0x8FFFFFFF  }
0x9e: {  	s18 =	sld [smem:$0x3FDB];
	_ =	sdelay $0x1  }
0x9f: {  	s19 =	simm.s32 $_scs_section_size  }
0xa0: {  	s5 =	simm.s32 $_size__tile_overlayer_lowered;
	s6 =	simm.s32 $_tile_overlayer_lowered  }
0xa1: {  	s22 =	simm.s32 $0x1BFF;
	s21 =	sshll.u32 s6, $0x1;
	s3 =	sadd.s32 s19, s18  }
0xa2: {  	s7 =	simm.s32 $0x0;
	s20 =	sshll.u32 s5, $0x1;
	s5 =	sadd.s32 s21, s3  }
0xa3: {  	[timem:s7], [sflag:s22] =	dma.local [hbm:s5], s20  }
0xa4: {  	_ =	swait.ge [sflag:s22], s20  }
0xa5: {  	s4 =	ssub.s32 $0x0, s20;
	[sflag:s22] =	ssyncset.done $0x0  }
0xa6: {  	[sflag:s22] =	ssyncadd.s32 s4;
	_ =	sdelay $0x1  }
0xa7: {  	s23 =	simm.s32 $0x1B8B  }
0xa8: {  	_ =	swait.ge [sflag:s23], $0x1  }
0xa9: {  	[sflag:s23] =	ssyncset.done $0x0  }
0xaa: {  	s25 =	simm.s32 $0x1B8E;
	s24 =	sld [smem:$0x3FFE];
	[sflag:s23] =	ssyncadd.s32 $0xFFFFFFFF  }
0xab: {  	s26 =	simm.s32 $execute0_lowered;
	[smem:$0x3FD2] =	sst s25  }
0xac: {  	s5 =	sshll.u32 s26, $0x1;
	_ =	strace $0x80000046;
	[dreg:$0x1] =	wrdreg $0xFFFFFFFF  }
0xad: {  	s28 =	simm.s32 $_size_execute0_lowered;
	s3 =	sadd.s32 s3, s5;
	[dreg:$0x0] =	wrdreg $0x0  }
0xae: {  	s5 =	sshll.u32 s28, $0x1;
	[dreg:$0x2] =	wrdreg s3  }
0xaf: {  	[dreg:$0x3] =	wrdreg s5  }
0xb0: {  	[dreg:$0x4] =	wrdreg $0xC0  }
0xb1: {  	_ =	task [dreg:s7], $0x5FFFF  }
0xb2: {  	[dreg:$0x1] =	wrdreg $0xFFFFFFFF  }
0xb3: {  	[dreg:$0x0] =	wrdreg $0x60  }
0xb4: {  	[dreg:$0x2] =	wrdreg s16  }
0xb5: {  	[dreg:$0x3] =	wrdreg s24  }
0xb6: {  	[dreg:$0x4] =	wrdreg $0x9  }
0xb7: {  	_ =	task.clear_ibuf [dreg:s7], $0x5FFFF;
	_ =	strace $0x90000046  }
0xb8: {  	s29 =	simm.s32 $0x9;
	_ =	strace $0x80000048  }
0xb9: {  	_ =	swait.ge [sflag:s29], $0x1  }
0xba: {  	[sflag:s29] =	ssyncadd.s32 $0xFFFFFFFF  }
0xbb: {  	_ =	strace $0x90000048  }
0xbc: {  	_ =	sfence  }
0xbd: {  	s30 =	sld [smem:$0x0];
	_ =	sdelay $0x2  }
0xbe: {  	s31 =	sshll.u32 s1, $0xD;
	s1 =	sshrl.u32 s1, $0x2  }
0xbf: {  	s3 =	sand.u32 $0x4000, s31;
	s1 =	sadd.s32 s1, s30  }
0xc0: {  	s0 =	sor.u32 s3, s0;
	s1 =	sshll.u32 s1, $0x11  }
0xc1: {  	s0 =	sor.u32 s1, s0  }
0xc2: {  	s0 =	sadd.s32 $0x8F2B, s0  }
0xc3: {  	[sflag:s0] =	ssyncadd.remote.s32 $0x1  }
0xc4: {  	_ =	sfence.sel $0xFFFF  }
0xc5: {  	[dreg:$0x0] =	wrdreg $0xFFFFFFFF;
	(pc) =	sbr.abs _section_cstart, $3  }
0xc6: {  	[dreg:$0x1] =	wrdreg $0xFFFFFFFF  }
0xc7: {  	_ =	task.clear_ibuf [dreg:s7], $0x2FFFF;
	_ =	strace $0x9FFFFFFF  }
0xc8: {  	(tm) =	ssettm $0x7FFFFFFF  }
0xc9: {  	_ =	shalt  }
tec
execute0_lowered:
.L_overlay_start_1:
0x0: {  	(tag) =	ssettag $0x1  }
0x1: {  	s4 =	rddreg [dreg:$0x0]  }
0x2: {  	s3 =	rddreg [dreg:$0x1];
	s1 =	simm.s32 $0x0  }
0x3: {  	[smem:$0x7FF] =	sst s1  }
0x4: {  	s0 =	rddreg [dreg:$0x2];
	v0 =	vimm.f32 $6.655850980e+01;
	_ =	strace $0x80000047  }
0x5: {  	(erf) = vrcp.f32 v0;
	_ =	sdelay $0x8  }
0x6: {  	v0 =	vpop (erf)  }
0x7: {  	v0 =	vmul.f32 $4.608000000e+03, v0;
	_ =	sdelay $0x1  }
0x8: {  	v0 =	vadd.f32 $6.655850980e+01, v0;
	_ =	sdelay $0x1  }
0x9: {  	v0 =	vmul.f32 $5.000000000e-01, v0;
	_ =	sdelay $0x1  }
0xa: {  	(erf) = vrcp.f32 v0;
	_ =	sdelay $0x8  }
0xb: {  	v1 =	vpop (erf)  }
0xc: {  	v1 =	vmul.f32 $4.608000000e+03, v1;
	_ =	sdelay $0x1  }
0xd: {  	v0 =	vadd.f32 v1, v0;
	_ =	sdelay $0x1  }
0xe: {  	v0 =	vmul.f32 $5.000000000e-01, v0  }
0xf: {  	v2 =	vimm.s32 $0x0;
	v3 =	vimm.s32 $0xE38  }
0x10: {  	v4 =	vimm.s32 $0x208;
	v6 =	vimm.s32 $0x43332221;
	(erf) = vrcp.f32 v0  }
0x11: {  	v7 =	vimm.s32 $0x11000FFF;
	v5 =	vimm.s32 $0x20;
	v8 =	vimm.f32 $1.000000000e+00  }
0x12: {  	v11 =	vimm.s32 $0xD34D34D3;
	vm0 =	vcmask $0x2314;
	v12 =	vimm.s32 $0xFFC1C0BF  }
0x13: {  	v13 =	vimm.s32 $0x403F0100;
	v14 =	vimm.s32 $0x81807F41;
	vm1 =	vcmask $0xF00  }
0x14: {  	vm2 =	vcmask $0x1F10;
	vm3 =	vcmask $0x33C;
	vm4 =	vcmask $0x704  }
0x15: {  	v9 =	vunpack.c.l.s4.s8 v6;
	v10 =	vunpack.c.l.s4.s8 v7;
	v6 =	vimm.s32 $0x2  }
0x16: {  	v7 =	vlaneseq.u32;
	v12 =	vunpack.c.0.s8.s32 v12;
	v13 =	vunpack.c.0.s8.s32 v13  }
0x17: {  	v14 =	vunpack.c.0.s8.s32 v14;
	vm0 =	vmor vm1, vm0;
	vm1 =	vcmask $0xF0C  }
0x18: {  	v11 =	vunpack.c.l.s2.s4 v11;
	vm1 =	vmor vm3, vm1;
	vm3 =	vcmask $0x1B18  }
0x19: {  	s5 =	srdreg.scid;
	s2 =	stileid.u32;
	s11 =	simm.s32 $0x400;
	v9 =	vunpack.c.0.s8.s32 v9;
	v10 =	vunpack.c.0.s8.s32 v10;
	v13 =	vsel vm2, v13, v12;
	v1 =	vpop (erf)  }
0x1a: {  	s12 =	simm.s32 $0x6180;
	s13 =	simm.s32 $0x1;
	s14 =	simm.s32 $0x1000;
	v14 =	vand.u32 $0xFF, v14;
	v12 =	vand.u32 $0xFF, v12;
	v1 =	vmul.f32 $4.608000000e+03, v1  }
0x1b: {  	s15 =	simm.s32 $0x2000;
	s16 =	simm.s32 $0x6000;
	s17 =	simm.s32 $0x6100;
	v11 =	vunpack.c.l.s4.s8 v11;
	vm1 =	vmor vm1, vm3;
	v12 =	vsel vm2, v12, v14  }
0x1c: {  	s18 =	simm.s32 $0x7180;
	s19 =	simm.s32 $0x8180;
	s20 =	simm.s32 $0xC180;
	vm2 =	vcmask $0x2724;
	v0 =	vadd.f32 v1, v0;
	v1 =	vimm.f32 $8.000000000e+00  }
0x1d: {  	s21 =	simm.s32 $0xC280;
	s22 =	simm.s32 $0x3000;
	s23 =	simm.s32 $0x9180;
	vm3 =	vcmask $0x1310;
	vm1 =	vmor vm1, vm2;
	(erf) = vrcp.f32 v1  }
0x1e: {  	s24 =	simm.s32 $0x4000;
	s25 =	simm.s32 $0xA180;
	s28 =	simm.s32 $0xB180;
	vm2 =	vmor vm4, vm3;
	vm3 =	vcmask $0x1F1C;
	vm4 =	vcmask $0x3330  }
0x1f: {  	s29 =	simm.s32 $0x0;
	s5 =	sand.u32 $0x1, s5;
	s6 =	sshll.u32 s2, $0x6;
	v9 =	vcombine.low v10, v9;
	vm2 =	vmor vm2, vm3;
	vm3 =	vcmask $0x2B28  }
0x20: {  	s8 =	sshll.u32 s2, $0xB;
	s7 =	sshll.u32 s5, $0x5;
	s6 =	sand.u32 $0x40, s6;
	vm1 =	vmor vm1, vm4;
	vm2 =	vmor vm2, vm3;
	vm3 =	vcmask $0x3734  }
0x21: {  	s8 =	sand.u32 $0x7000, s8;
	s5 =	ssub.s32 $0x2, s5;
	s6 =	sor.u32 s7, s6;
	vm4 =	vcmask $0xB08;
	vm2 =	vmor vm2, vm3;
	vm3 =	vcmask $0x1714  }
0x22: {  	s26 =	sadd.s32 $0xA00, s3;
	s31 =	sshrl.u32 s5, $0x1;
	s6 =	sor.u32 s8, s6;
	vm3 =	vmor vm4, vm3;
	vm4 =	vcmask $0x2320;
	v0 =	vmul.f32 $5.000000000e-01, v0  }
0x23: {  	s30 =	sadd.s32 $0x8A00, s3;
	s10 =	ssub.s32 s5, s31;
	s9 =	sor.u32 $0x10, s6;
	v10 =	vunpack.c.0.s8.s32 v11;
	vm3 =	vmor vm3, vm4;
	vm4 =	vcmask $0x2F2C  }
0x24: {  	s3 =	sadd.s32 s4, s6;
	s5 =	sadd.s32 s26, s6;
	s6 =	sadd.s32 s30, s6;
	vm3 =	vmor vm3, vm4;
	vm4 =	vcmask $0x3B38;
	v0 =	vmul.f32 $1.000000050e-03, v0  }
0x25: {  	v11 =	vcombine.low v13, v12;
	v13 =	vimm.s32 $0x1;
	s4 =	sadd.s32 s4, s9;
	s7 =	sadd.s32 s26, s9;
	s8 =	sadd.s32 s30, s9;
	vm3 =	vmor vm3, vm4  }
0x26: {  	s9 =	smax.u32 s10, $0x1;
	s10 =	simm.s32 $0x80;
	s26 =	simm.s32 $0x5000;
	vm4 =	vcmask $0x3F3C;
	v1 =	vimm.f32 $0.0e+00;
	v0 =	vadd.f32 $4.800000000e+01, v0;
	v12 =	vpop (erf)  }
.LBB2_1:
0x27: {  	[tilespmem:s1], [sflag:$0x1] =	stream.strided.gather [hbm4b:s3+s10], $0x1000, s11, s10, $0x38;
	[tilespmem:$0xC300] =	vst v63  }
0x28: {  	s30 =	simm.s32 $0x0;
	s31 =	simm.s32 $0x100  }
0x29: {  	[tilespmem:s12], [sflag:$0x1] =	stream.strided.gather [hbm4b:s4+s10], $0x1000, s11, s10, $0x38;
	[tilespmem:$0xC300] =	vst v63  }
.LBB2_2:
0x2a: {  	p0 =	sne.s32 s31, $0x3F00;
	[tilespmem:s30+$0xA1B0] =	vst v3  }
0x2b: {  	[tilespmem:s30+$0x1000] =	vst v1  }
0x2c: {  	[tilespmem:s30+$0x2000] =	vst v1  }
0x2d: {  	[tilespmem:s30+$0x3000] =	vst v1  }
0x2e: {  	[tilespmem:s30+$0x5000] =	vst v2  }
0x2f: {  	[tilespmem:s30+$0x4000] =	vst v3  }
0x30: {  	[tilespmem:s30+$0x7180] =	vst v1  }
0x31: {  	[tilespmem:s30+$0x8180] =	vst v1  }
0x32: {  	[tilespmem:s30+$0x9180] =	vst v1  }
0x33: {  	[tilespmem:s30+$0xB180] =	vst v2  }
0x34: {  	[tilespmem:s30+$0xA180] =	vst v3  }
0x35: {  	[tilespmem:s30+$0x1010] =	vst v1  }
0x36: {  	[tilespmem:s30+$0x2010] =	vst v1  }
0x37: {  	[tilespmem:s30+$0x3010] =	vst v1  }
0x38: {  	[tilespmem:s30+$0x5010] =	vst v2  }
0x39: {  	[tilespmem:s30+$0x4010] =	vst v3  }
0x3a: {  	[tilespmem:s30+$0x7190] =	vst v1  }
0x3b: {  	[tilespmem:s30+$0x8190] =	vst v1  }
0x3c: {  	[tilespmem:s30+$0x9190] =	vst v1  }
0x3d: {  	[tilespmem:s30+$0xB190] =	vst v2  }
0x3e: {  	[tilespmem:s30+$0xA190] =	vst v3  }
0x3f: {  	[tilespmem:s30+$0x1020] =	vst v1  }
0x40: {  	[tilespmem:s30+$0x2020] =	vst v1  }
0x41: {  	[tilespmem:s30+$0x3020] =	vst v1  }
0x42: {  	[tilespmem:s30+$0x5020] =	vst v2  }
0x43: {  	[tilespmem:s30+$0x4020] =	vst v3  }
0x44: {  	[tilespmem:s30+$0x71A0] =	vst v1  }
0x45: {  	[tilespmem:s30+$0x81A0] =	vst v1  }
0x46: {  	[tilespmem:s30+$0x91A0] =	vst v1  }
0x47: {  	[tilespmem:s30+$0xB1A0] =	vst v2  }
0x48: {  	[tilespmem:s30+$0xA1A0] =	vst v3  }
0x49: {  	[tilespmem:s30+$0x1030] =	vst v1  }
0x4a: {  	[tilespmem:s30+$0x2030] =	vst v1  }
0x4b: {  	[tilespmem:s30+$0x3030] =	vst v1  }
0x4c: {  	[tilespmem:s30+$0x5030] =	vst v2  }
.Ltmp0:
0x4d: {  	[tilespmem:s30+$0x4030] =	vst v3;
	(pc) =	sbr.rel @p0 .LBB2_2-.Ltmp0, $4  }
0x4e: {  	[tilespmem:s30+$0x71B0] =	vst v1  }
0x4f: {  	[tilespmem:s30+$0x81B0] =	vst v1  }
0x50: {  	[tilespmem:s30+$0x91B0] =	vst v1  }
0x51: {  	[tilespmem:s30+$0xB1B0] =	vst v2;
	s30 =	sshra.s32 s31, $0x2;
	s31 =	sadd.s32 $0x100, s31  }
0x52: {  	[tilespmem:s30+$0xA1B0] =	vst v3  }
0x53: {  	[tilespmem:s30+$0x1000] =	vst v1  }
0x54: {  	[tilespmem:s30+$0x2000] =	vst v1  }
0x55: {  	[tilespmem:s30+$0x3000] =	vst v1  }
0x56: {  	[tilespmem:s30+$0x5000] =	vst v2  }
0x57: {  	[tilespmem:s30+$0x4000] =	vst v3  }
0x58: {  	[tilespmem:s30+$0x7180] =	vst v1  }
0x59: {  	[tilespmem:s30+$0x8180] =	vst v1  }
0x5a: {  	[tilespmem:s30+$0x9180] =	vst v1  }
0x5b: {  	[tilespmem:s30+$0xB180] =	vst v2  }
0x5c: {  	[tilespmem:s30+$0xA180] =	vst v3  }
0x5d: {  	[tilespmem:s30+$0x1010] =	vst v1  }
0x5e: {  	[tilespmem:s30+$0x2010] =	vst v1  }
0x5f: {  	[tilespmem:s30+$0x3010] =	vst v1  }
0x60: {  	[tilespmem:s30+$0x5010] =	vst v2  }
0x61: {  	[tilespmem:s30+$0x4010] =	vst v3  }
0x62: {  	[tilespmem:s30+$0x7190] =	vst v1  }
0x63: {  	[tilespmem:s30+$0x8190] =	vst v1  }
0x64: {  	[tilespmem:s30+$0x9190] =	vst v1  }
0x65: {  	[tilespmem:s30+$0xB190] =	vst v2  }
0x66: {  	[tilespmem:s30+$0xA190] =	vst v3  }
0x67: {  	[tilespmem:s30+$0x1020] =	vst v1  }
0x68: {  	[tilespmem:s30+$0x2020] =	vst v1  }
0x69: {  	[tilespmem:s30+$0x3020] =	vst v1  }
0x6a: {  	[tilespmem:s30+$0x5020] =	vst v2  }
0x6b: {  	[tilespmem:s30+$0x4020] =	vst v3  }
0x6c: {  	[tilespmem:s30+$0x71A0] =	vst v1  }
0x6d: {  	[tilespmem:s30+$0x81A0] =	vst v1  }
0x6e: {  	[tilespmem:s30+$0x91A0] =	vst v1  }
0x6f: {  	[tilespmem:s30+$0xB1A0] =	vst v2  }
0x70: {  	[tilespmem:s30+$0xA1A0] =	vst v3  }
0x71: {  	[tilespmem:s30+$0x1030] =	vst v1  }
0x72: {  	[tilespmem:s30+$0x2030] =	vst v1  }
0x73: {  	[tilespmem:s30+$0x3030] =	vst v1  }
0x74: {  	[tilespmem:s30+$0x5030] =	vst v2  }
0x75: {  	[tilespmem:s30+$0x4030] =	vst v3  }
0x76: {  	[tilespmem:s30+$0x71B0] =	vst v1  }
0x77: {  	[tilespmem:s30+$0x81B0] =	vst v1  }
0x78: {  	[tilespmem:s30+$0x91B0] =	vst v1  }
0x79: {  	[tilespmem:s30+$0xB1B0] =	vst v2  }
0x7a: {  	[tilespmem:$0x6000] =	vst v1  }
0x7b: {  	[tilespmem:$0xC180] =	vst v1  }
0x7c: {  	[tilespmem:$0x6010] =	vst v1  }
0x7d: {  	[tilespmem:$0xC190] =	vst v1  }
0x7e: {  	[tilespmem:$0x6020] =	vst v1  }
0x7f: {  	[tilespmem:$0xC1A0] =	vst v1  }
0x80: {  	[tilespmem:$0x6030] =	vst v1  }
0x81: {  	[tilespmem:$0xC1B0] =	vst v1  }
0x82: {  	[tilespmem:$0x6040] =	vst v1  }
0x83: {  	[tilespmem:$0xC1C0] =	vst v1  }
0x84: {  	[tilespmem:$0x6050] =	vst v1  }
0x85: {  	[tilespmem:$0xC1D0] =	vst v1  }
0x86: {  	[tilespmem:$0x6060] =	vst v1  }
0x87: {  	[tilespmem:$0xC1E0] =	vst v1  }
0x88: {  	[tilespmem:$0x6070] =	vst v1  }
0x89: {  	[tilespmem:$0xC1F0] =	vst v1  }
0x8a: {  	[tilespmem:$0x6080] =	vst v1  }
0x8b: {  	[tilespmem:$0xC200] =	vst v1  }
0x8c: {  	[tilespmem:$0x6090] =	vst v1  }
0x8d: {  	[tilespmem:$0xC210] =	vst v1  }
0x8e: {  	[tilespmem:$0x60A0] =	vst v1  }
0x8f: {  	[tilespmem:$0xC220] =	vst v1  }
0x90: {  	[tilespmem:$0x60B0] =	vst v1  }
0x91: {  	[tilespmem:$0xC230] =	vst v1  }
0x92: {  	[tilespmem:$0x60C0] =	vst v1  }
0x93: {  	[tilespmem:$0xC240] =	vst v1  }
0x94: {  	[tilespmem:$0x60D0] =	vst v1  }
0x95: {  	[tilespmem:$0xC250] =	vst v1  }
0x96: {  	[tilespmem:$0x60E0] =	vst v1  }
0x97: {  	[tilespmem:$0xC260] =	vst v1  }
0x98: {  	[tilespmem:$0x60F0] =	vst v1  }
0x99: {  	[tilespmem:$0xC270] =	vst v1  }
0x9a: {  	[tilespmem:$0x6100] =	vst v1  }
0x9b: {  	[tilespmem:$0xC280] =	vst v1  }
0x9c: {  	_ =	swait.ge [sflag:s13], $0x1000  }
0x9d: {  	[sflag:s13] =	ssyncset.done $0x0  }
0x9e: {  	[sflag:s13] =	ssyncadd.s32 $0xFFFFF000  }
0x9f: {  	_ =	swait.ge [sflag:s13], $0x1000  }
0xa0: {  	[sflag:s13] =	ssyncset.done $0x0  }
0xa1: {  	[sflag:s13] =	ssyncadd.s32 $0xFFFFF000  }
0xa2: {  	v14 =	vld.idx.msk [tilespmem:v4+s1+$0x0], $0xffff;
	_ =	sdelay $0x4  }
0xa3: {  	v15 =	vadd.f32 v14, v0;
	_ =	sdelay $0x1  }
0xa4: {  	v15 =	vmul.f32 $5.000000000e-01, v15;
	_ =	sdelay $0x1  }
0xa5: {  	v15 =	vadd.f32 $0.0e+00, v15;
	_ =	sdelay $0x1  }
0xa6: {  	v15 =	vsub.f32 $0.0e+00, v15;
	_ =	sdelay $0x1  }
0xa7: {  	v15 =	vmul.f32 v15, v12;
	_ =	sdelay $0x1  }
0xa8: {  	v15 =	vmul.f32 $1.442695020e+00, v15;
	_ =	sdelay $0x1  }
0xa9: {  	(erf) = vpow2.f32 v15;
	_ =	sdelay $0x8  }
0xaa: {  	v15 =	vpop (erf)  }
0xab: {  	[tilespmem:v4+s14+$0x0] =	vst.idx.msk $0x1, v15  }
0xac: {  	[tilespmem:v4+s15+$0x0] =	vst.idx.msk $0x1, v14  }
0xad: {  	[tilespmem:v5+s16+$0x0] =	vst.idx.msk $0x1, v15  }
0xae: {  	[tilespmem:v6+s17+$0x0] =	vst.idx.msk $0x1, v15  }
0xaf: {  	v14 =	vld.idx.msk [tilespmem:v4+s12+$0x0], $0xffff;
	_ =	sdelay $0x4  }
0xb0: {  	v15 =	vadd.f32 v14, v0;
	_ =	sdelay $0x1  }
0xb1: {  	v15 =	vmul.f32 $5.000000000e-01, v15;
	_ =	sdelay $0x1  }
0xb2: {  	v15 =	vadd.f32 $0.0e+00, v15;
	_ =	sdelay $0x1  }
0xb3: {  	v15 =	vsub.f32 $0.0e+00, v15;
	_ =	sdelay $0x1  }
0xb4: {  	v15 =	vmul.f32 v15, v12;
	_ =	sdelay $0x1  }
0xb5: {  	v15 =	vmul.f32 $1.442695020e+00, v15;
	_ =	sdelay $0x1  }
0xb6: {  	(erf) = vpow2.f32 v15;
	_ =	sdelay $0x8  }
0xb7: {  	v15 =	vpop (erf)  }
0xb8: {  	[tilespmem:v4+s18+$0x0] =	vst.idx.msk $0x1, v15  }
0xb9: {  	[tilespmem:v4+s19+$0x0] =	vst.idx.msk $0x1, v14  }
0xba: {  	[tilespmem:v5+s20+$0x0] =	vst.idx.msk $0x1, v15  }
0xbb: {  	[tilespmem:v6+s21+$0x0] =	vst.idx.msk $0x1, v15  }
0xbc: {  	v14 =	vld [tilespmem:$0x6100];
	_ =	sdelay $0x2  }
0xbd: {  	v15 =	vld [tilespmem:$0xC280];
	_ =	sdelay $0x1  }
0xbe: {  	(xrf0) =	vmax.scan.msk.f32 $0xffff, v14;
	_ =	sdelay $0x2  }
0xbf: {  	(xrf0) =	vmax.scan.msk.f32 $0xffff, v15;
	_ =	sdelay $0x2  }
0xc0: {  	v16, _, _ =	vpop (xrf0)  }
0xc1: {  	v24 =	vbroadcast v16, $0xF;
	_ =	sdelay $0x1  }
0xc2: {  	vm5 =	veq.f32 v14, v24;
	v14, _, _ =	vpop (xrf0)  }
0xc3: {  	v25 =	vbroadcast v14, $0xF;
	v14 =	vmctz.xlane vm5;
	_ =	sdelay $0x1  }
0xc4: {  	vm5 =	veq.f32 v15, v25;
	v14 =	vshll.u32 v14, $0x4  }
0xc5: {  	v15 =	vmctz.xlane vm5;
	v16 =	vor.u32 v7, v14;
	_ =	sdelay $0x1  }
0xc6: {  	v15 =	vshll.u32 v15, $0x4  }
0xc7: {  	v17 =	vor.u32 v7, v15;
	_ =	sdelay $0x1  }
0xc8: {  	v16 =	vld.idx.msk [tilespmem:v16+s16+$0x0], $0xffff;
	_ =	sdelay $0x2  }
0xc9: {  	v17 =	vld.idx.msk [tilespmem:v17+s20+$0x0], $0xffff;
	_ =	sdelay $0x1  }
0xca: {  	vm5 =	veq.f32 v16, v24  }
0xcb: {  	v16 =	vmctz.xlane vm5;
	_ =	sdelay $0x1  }
0xcc: {  	v14 =	vadd.s32 v14, v16;
	vm5 =	veq.f32 v17, v25  }
0xcd: {  	v16 =	vmctz.xlane vm5;
	v17 =	vshll.u32 v14, $0x4  }
0xce: {  	v20 =	vor.u32 v7, v17  }
0xcf: {  	v15 =	vadd.s32 v15, v16  }
0xd0: {  	v18 =	vshll.u32 v15, $0x4  }
0xd1: {  	v21 =	vor.u32 v7, v18;
	_ =	sdelay $0x1  }
0xd2: {  	v16 =	vld.idx.msk [tilespmem:v20+s14+$0x0], $0xffff;
	_ =	sdelay $0x2  }
0xd3: {  	v19 =	vld.idx.msk [tilespmem:v21+s18+$0x0], $0xffff;
	_ =	sdelay $0x1  }
0xd4: {  	vm5 =	veq.f32 v16, v24  }
0xd5: {  	v16 =	vmctz.xlane vm5;
	_ =	sdelay $0x1  }
0xd6: {  	v22 =	vadd.s32 v17, v16;
	vm5 =	veq.f32 v19, v25  }
0xd7: {  	v19 =	vmctz.xlane vm5;
	v16 =	vshra.s32 v22, $0x6;
	v17 =	vand.u32 $0x3F, v22  }
0xd8: {  	v26 =	vadd.s32 v9, v16;
	v27 =	vadd.s32 v10, v17  }
0xd9: {  	v23 =	vadd.s32 v18, v19;
	v26 =	vor.u32 v26, v27  }
0xda: {  	v46 =	vadd.s32 v11, v22;
	v18 =	vshra.s32 v23, $0x6;
	vm5 =	vlt.u32 v26, $0x40  }
0xdb: {  	v19 =	vand.u32 $0x3F, v23;
	v48 =	vadd.s32 v11, v23;
	vm5 =	vmand vm5, vm0  }
0xdc: {  	v47 =	vadd.s32 v9, v18;
	v28 =	vadd.s32 v10, v19;
	v27 =	vsel vm5, v46, v22  }
0xdd: {  	v26 =	vor.u32 v47, v28;
	v29 =	vshra.s32 v27, $0x6;
	v30 =	vand.u32 $0x3F, v27  }
0xde: {  	vm6 =	vlt.u32 v26, $0x40;
	v49 =	vadd.s32 $0xFFFFFFC8, v29;
	v50 =	vadd.s32 $0xFFFFFFC8, v30  }
0xdf: {  	vm6 =	vmand vm6, vm0;
	v51 =	vsub.s32 $0x0, v49;
	v31 =	vsub.s32 $0x0, v50  }
0xe0: {  	v28 =	vsel vm6, v48, v23;
	v26 =	vmin.u32 v49, v51;
	v29 =	vmin.u32 v50, v31  }
0xe1: {  	v52 =	vshra.s32 v28, $0x6;
	v53 =	vand.u32 $0x3F, v28;
	v26 =	vcvt.s32.f32 v26  }
0xe2: {  	v29 =	vcvt.s32.f32 v29;
	v30 =	vadd.s32 $0xFFFFFFC8, v52;
	v31 =	vadd.s32 $0xFFFFFFC8, v53  }
0xe3: {  	v32 =	vsub.s32 $0x0, v30;
	v34 =	vsub.s32 $0x0, v31;
	v33 =	vmul.f32 v26, v26  }
0xe4: {  	v30 =	vmin.u32 v30, v32;
	v54 =	vmul.f32 v29, v29;
	v31 =	vmin.u32 v31, v34  }
0xe5: {  	v30 =	vcvt.s32.f32 v30;
	v31 =	vcvt.s32.f32 v31  }
0xe6: {  	v32 =	vadd.f32 v54, v33  }
0xe7: {  	v55 =	vmul.f32 v30, v30;
	v56 =	vmul.f32 v31, v31  }
0xe8: {  	v35 =	vshrl.u32 v32, $0x1  }
0xe9: {  	v35 =	vadd.s32 $0x1FBD1DF5, v35;
	v33 =	vadd.f32 v56, v55  }
0xea: {  	(erf) = vrcp.f32 v35  }
0xeb: {  	v34 =	vshrl.u32 v33, $0x1  }
0xec: {  	v34 =	vadd.s32 $0x1FBD1DF5, v34  }
0xed: {  	(erf) = vrcp.f32 v34;
	_ =	sdelay $0x5  }
0xee: {  	v36 =	vpop (erf)  }
0xef: {  	v36 =	vmul.f32 v36, v32;
	_ =	sdelay $0x1  }
0xf0: {  	v35 =	vadd.f32 v35, v36;
	v57 =	vpop (erf)  }
0xf1: {  	v36 =	vmul.f32 v57, v33  }
0xf2: {  	v35 =	vmul.f32 $5.000000000e-01, v35  }
0xf3: {  	v34 =	vadd.f32 v34, v36  }
0xf4: {  	(erf) = vrcp.f32 v35  }
0xf5: {  	v34 =	vmul.f32 $5.000000000e-01, v34;
	_ =	sdelay $0x1  }
0xf6: {  	(erf) = vrcp.f32 v34;
	_ =	sdelay $0x5  }
0xf7: {  	v58 =	vpop (erf)  }
0xf8: {  	v36 =	vmul.f32 v58, v32;
	_ =	sdelay $0x1  }
0xf9: {  	v35 =	vadd.f32 v36, v35;
	v59 =	vpop (erf)  }
0xfa: {  	v36 =	vmul.f32 v59, v33  }
0xfb: {  	v35 =	vmul.f32 $5.000000000e-01, v35  }
0xfc: {  	v34 =	vadd.f32 v36, v34  }
0xfd: {  	(erf) = vrcp.f32 v35  }
0xfe: {  	v34 =	vmul.f32 $5.000000000e-01, v34;
	_ =	sdelay $0x1  }
0xff: {  	(erf) = vrcp.f32 v34;
	_ =	sdelay $0x5  }
0x100: {  	v60 =	vpop (erf)  }
0x101: {  	v36 =	vmul.f32 v60, v32  }
0x102: {  	vm7 =	veq.s32 v22, $0xE38  }
0x103: {  	v24 =	vnsel vm7, $0xBF800000, v24;
	[tilespmem:v22+s22+$0x0] =	vst.idx.msk $0x1, v8;
	v35 =	vadd.f32 v36, v35;
	v61 =	vpop (erf)  }
0x104: {  	vm7 =	veq.s32 v23, $0xE38;
	[tilespmem:v22+s14+$0x0] =	vst.idx.msk $0x1, v24;
	v62 =	vmul.f32 v61, v33  }
0x105: {  	v25 =	vnsel vm7, $0xBF800000, v25;
	[tilespmem:v23+s23+$0x0] =	vst.idx.msk $0x1, v8;
	v35 =	vmul.f32 $5.000000000e-01, v35  }
0x106: {  	[tilespmem:v23+s18+$0x0] =	vst.idx.msk $0x1, v25;
	v63 =	vadd.f32 v29, v26;
	v24 =	vadd.f32 v62, v34  }
0x107: {  	v39 =	vld.idx.msk [tilespmem:v27+s1+$0x0], $0xffff;
	v38 =	vmin.f32 v26, v29;
	v40 =	vmul.f32 $1.000000050e-03, v35  }
0x108: {  	v25 =	vsub.f32 v63, v38;
	vm7 =	veq.f32 v32, $0.0e+00;
	v24 =	vmul.f32 $5.000000000e-01, v24  }
0x109: {  	v42 =	vld.idx.msk [tilespmem:v22+s15+$0x0], $0xffff;
	v41 =	vadd.f32 v31, v30;
	v29 =	vsel vm7, $0x0, v40  }
0x10a: {  	v43 =	vld.idx.msk [tilespmem:v28+s12+$0x0], $0xffff;
	v30 =	vmin.f32 v30, v31;
	v25 =	vadd.f32 v29, v25;
	v24 =	vmul.f32 $1.000000050e-03, v24  }
0x10b: {  	v44 =	vsub.f32 v41, v30;
	vm7 =	veq.f32 v33, $0.0e+00  }
0x10c: {  	v45 =	vld.idx.msk [tilespmem:v23+s19+$0x0], $0xffff;
	v25 =	vadd.f32 v25, v39;
	v24 =	vsel vm7, $0x0, v24  }
0x10d: {  	v24 =	vadd.f32 v24, v44  }
0x10e: {  	v46 =	vmul.f32 $5.000000000e-01, v42;
	v25 =	vmul.f32 $5.000000000e-01, v25  }
0x10f: {  	v24 =	vadd.f32 v24, v43  }
0x110: {  	v25 =	vadd.f32 v25, v46  }
0x111: {  	v47 =	vmul.f32 $5.000000000e-01, v45;
	v24 =	vmul.f32 $5.000000000e-01, v24  }
0x112: {  	v25 =	vsub.f32 $0.0e+00, v25  }
0x113: {  	v24 =	vadd.f32 v24, v47  }
0x114: {  	v48 =	vld.idx.msk [tilespmem:v27+s14+$0x0], $0xffff;
	v25 =	vmul.f32 v25, v12  }
0x115: {  	v24 =	vsub.f32 $0.0e+00, v24  }
0x116: {  	v25 =	vmul.f32 $1.442695020e+00, v25  }
0x117: {  	v49 =	vld.idx.msk [tilespmem:v28+s18+$0x0], $0xffff;
	v24 =	vmul.f32 v24, v12  }
0x118: {  	(erf) = vpow2.f32 v25  }
0x119: {  	vm7 =	veq.f32 v48, $0.0e+00;
	v24 =	vmul.f32 $1.442695020e+00, v24  }
0x11a: {  	vm5 =	vmand vm5, vm7  }
0x11b: {  	(erf) = vpow2.f32 v24  }
0x11c: {  	vm7 =	veq.f32 v49, $0.0e+00  }
0x11d: {  	vm6 =	vmand vm6, vm7  }
0x11e: {  	v50 =	vadd.f32 v39, v42;
	_ =	sdelay $0x1  }
0x11f: {  	[tilespmem:v27+s15+$0x0] =	vst.idx.msk vm5, v50  }
0x120: {  	v52 =	vshra.s32 v27, $0x4;
	v51 =	vadd.f32 v43, v45;
	[tilespmem:v27+s24+$0x0] =	vst.idx.msk vm5, v22;
	v25 =	vpop (erf)  }
0x121: {  	v53 =	vshra.s32 v28, $0x4;
	[tilespmem:v27+s14+$0x0] =	vst.idx.msk vm5, v25  }
0x122: {  	[tilespmem:v28+s19+$0x0] =	vst.idx.msk vm6, v51  }
0x123: {  	[tilespmem:v28+s25+$0x0] =	vst.idx.msk vm6, v23;
	v54 =	vpop (erf)  }
0x124: {  	[tilespmem:v28+s18+$0x0] =	vst.idx.msk vm6, v54  }
0x125: {  	vm7 =	vmand vm5, vm1;
	v24 =	vld.idx.msk [tilespmem:v52+s16+$0x0], $0xffff  }
0x126: {  	vm8 =	vmand vm6, vm1;
	v27 =	vld.idx.msk [tilespmem:v53+s20+$0x0], $0xffff;
	_ =	sdelay $0x3  }
0x127: {  	v24 =	vmax.f32 v24, v25  }
0x128: {  	v55 =	vmax.f32 v27, v54;
	[tilespmem:v52+s16+$0x0] =	vst.idx.msk vm7, v24  }
0x129: {  	[tilespmem:v53+s20+$0x0] =	vst.idx.msk vm8, v55  }
0x12a: {  	vm7 =	vmand vm5, vm2;
	v24 =	vld.idx.msk [tilespmem:v52+s16+$0x0], $0xffff  }
0x12b: {  	vm15 =	vmand vm6, vm2;
	v56 =	vld.idx.msk [tilespmem:v53+s20+$0x0], $0xffff;
	_ =	sdelay $0x3  }
0x12c: {  	v24 =	vmax.f32 v24, v25  }
0x12d: {  	v57 =	vmax.f32 v56, v54;
	[tilespmem:v52+s16+$0x0] =	vst.idx.msk vm7, v24  }
0x12e: {  	[tilespmem:v53+s20+$0x0] =	vst.idx.msk vm15, v57  }
0x12f: {  	vm5 =	vmand vm5, vm3;
	v24 =	vld.idx.msk [tilespmem:v52+s16+$0x0], $0xffff  }
0x130: {  	vm6 =	vmand vm6, vm3;
	v58 =	vld.idx.msk [tilespmem:v53+s20+$0x0], $0xffff;
	_ =	sdelay $0x3  }
0x131: {  	v24 =	vmax.f32 v24, v25  }
0x132: {  	v59 =	vmax.f32 v58, v54;
	[tilespmem:v52+s16+$0x0] =	vst.idx.msk vm5, v24  }
0x133: {  	[tilespmem:v53+s20+$0x0] =	vst.idx.msk vm6, v59  }
0x134: {  	v20 =	vld.idx.msk [tilespmem:v20+s14+$0x0], $0xffff  }
0x135: {  	v21 =	vld.idx.msk [tilespmem:v21+s18+$0x0], $0xffff;
	_ =	sdelay $0x2  }
0x136: {  	vm5 =	vgt.s32 v16, $0x1  }
0x137: {  	vm6 =	vgt.s32 v18, $0x1;
	v60 =	vnsel vm5, $0x1, v16;
	(xrf0) =	vmax.scan.msk.f32 $0xffff, v20  }
0x138: {  	v22 =	vshll.u32 v60, $0x2;
	v20 =	vnsel vm6, $0x1, v18;
	(xrf0) =	vmax.scan.msk.f32 $0xffff, v21  }
0x139: {  	v61 =	vadd.s32 $0xFFFFFFFC, v22;
	v20 =	vshll.u32 v20, $0x2  }
0x13a: {  	v22 =	vand.u32 $0xFFFFFFF0, v61;
	v20 =	vadd.s32 $0xFFFFFFFC, v20  }
0x13b: {  	v22 =	vor.u32 v7, v22;
	v62 =	vand.u32 $0xFFFFFFF0, v20  }
0x13c: {  	v23 =	vor.u32 v7, v62  }
0x13d: {  	v63, _, _ =	vpop (xrf0)  }
0x13e: {  	[tilespmem:v14+s16+$0x0] =	vst.idx.msk vm4, v63;
	v14, _, _ =	vpop (xrf0)  }
0x13f: {  	[tilespmem:v15+s20+$0x0] =	vst.idx.msk vm4, v14  }
0x140: {  	v14 =	vld.idx.msk [tilespmem:v22+s16+$0x0], $0xffff  }
0x141: {  	v17 =	vmin.u32 v17, $0x3E;
	v15 =	vld.idx.msk [tilespmem:v23+s20+$0x0], $0xffff  }
0x142: {  	v17 =	vadd.s32 $0x1, v17  }
0x143: {  	v17 =	vshrl.u32 v17, $0x4;
	vm6 =	vlt.s32 v16, $0x3E  }
0x144: {  	v19 =	vmin.u32 v19, $0x3E;
	vm5 =	vlt.s32 v18, $0x3E;
	v16 =	vnsel vm6, $0x3E, v16  }
0x145: {  	v19 =	vadd.s32 $0x1, v19;
	v18 =	vnsel vm5, $0x3E, v18;
	v16 =	vshll.u32 v16, $0x2;
	(xrf0) =	vmax.scan.msk.f32 $0xffff, v14  }
0x146: {  	v18 =	vshll.u32 v18, $0x2;
	v16 =	vadd.s32 v17, v16;
	v14 =	vshrl.u32 v19, $0x4;
	(xrf0) =	vmax.scan.msk.f32 $0xffff, v15  }
0x147: {  	v14 =	vadd.s32 v14, v18;
	v15 =	vadd.s32 $0x4, v16;
	v16 =	vshrl.u32 v61, $0x4  }
0x148: {  	v17 =	vshrl.u32 v20, $0x4;
	v18 =	vadd.s32 $0x4, v14;
	v14 =	vand.u32 $0xFFFFFFF0, v15  }
0x149: {  	v14 =	vor.u32 v7, v14;
	v19 =	vand.u32 $0xFFFFFFF0, v18  }
0x14a: {  	v19 =	vor.u32 v7, v19  }
0x14b: {  	v20, _, _ =	vpop (xrf0)  }
0x14c: {  	[tilespmem:v16+s17+$0x0] =	vst.idx.msk vm4, v20;
	v16, _, _ =	vpop (xrf0)  }
0x14d: {  	[tilespmem:v17+s21+$0x0] =	vst.idx.msk vm4, v16  }
0x14e: {  	v14 =	vld.idx.msk [tilespmem:v14+s16+$0x0], $0xffff  }
0x14f: {  	v16 =	vld.idx.msk [tilespmem:v19+s20+$0x0], $0xffff;
	_ =	sdelay $0x3  }
0x150: {  	(xrf0) =	vmax.scan.msk.f32 $0xffff, v14  }
0x151: {  	s30 =	simm.s32 $0xCB;
	v19 =	vshra.s32 v15, $0x4;
	(xrf0) =	vmax.scan.msk.f32 $0xffff, v16  }
.LBB2_4:
0x152: {  	p0 =	sne.s32 s30, $0x1;
	s30 =	sadd.s32 $0xFFFFFFFF, s30  }
0x153: {  	v14 =	vshra.s32 v18, $0x4;
	_ =	sdelay $0x2  }
0x154: {  	v15, _, _ =	vpop (xrf0)  }
0x155: {  	[tilespmem:v19+s17+$0x0] =	vst.idx.msk vm4, v15;
	v15, _, _ =	vpop (xrf0)  }
0x156: {  	[tilespmem:v14+s21+$0x0] =	vst.idx.msk vm4, v15  }
0x157: {  	v14 =	vld [tilespmem:$0x6100];
	_ =	sdelay $0x2  }
0x158: {  	v15 =	vld [tilespmem:$0xC280];
	_ =	sdelay $0x1  }
0x159: {  	(xrf0) =	vmax.scan.msk.f32 $0xffff, v14;
	_ =	sdelay $0x2  }
0x15a: {  	(xrf0) =	vmax.scan.msk.f32 $0xffff, v15;
	_ =	sdelay $0x2  }
0x15b: {  	v16, _, _ =	vpop (xrf0)  }
0x15c: {  	v18 =	vbroadcast v16, $0xF;
	_ =	sdelay $0x1  }
0x15d: {  	vm5 =	veq.f32 v14, v18;
	v14, _, _ =	vpop (xrf0)  }
0x15e: {  	v19 =	vbroadcast v14, $0xF;
	v14 =	vmctz.xlane vm5;
	_ =	sdelay $0x1  }
0x15f: {  	vm5 =	veq.f32 v15, v19;
	v14 =	vshll.u32 v14, $0x4  }
0x160: {  	v15 =	vmctz.xlane vm5;
	v16 =	vor.u32 v7, v14;
	_ =	sdelay $0x1  }
0x161: {  	v15 =	vshll.u32 v15, $0x4  }
0x162: {  	v17 =	vor.u32 v7, v15;
	_ =	sdelay $0x1  }
0x163: {  	v16 =	vld.idx.msk [tilespmem:v16+s16+$0x0], $0xffff;
	_ =	sdelay $0x2  }
0x164: {  	v17 =	vld.idx.msk [tilespmem:v17+s20+$0x0], $0xffff;
	_ =	sdelay $0x2  }
0x165: {  	vm5 =	veq.f32 v16, v18  }
0x166: {  	v16 =	vmctz.xlane vm5;
	_ =	sdelay $0x1  }
0x167: {  	v14 =	vadd.s32 v14, v16;
	vm5 =	veq.f32 v17, v19  }
0x168: {  	v17 =	vmctz.xlane vm5;
	v20 =	vshll.u32 v14, $0x4  }
0x169: {  	v16 =	vor.u32 v7, v20  }
0x16a: {  	v15 =	vadd.s32 v15, v17  }
0x16b: {  	v21 =	vshll.u32 v15, $0x4  }
0x16c: {  	v17 =	vor.u32 v7, v21;
	_ =	sdelay $0x1  }
0x16d: {  	v22 =	vld.idx.msk [tilespmem:v16+s14+$0x0], $0xffff;
	_ =	sdelay $0x2  }
0x16e: {  	v23 =	vld.idx.msk [tilespmem:v17+s18+$0x0], $0xffff;
	_ =	sdelay $0x2  }
0x16f: {  	vm5 =	veq.f32 v22, v18  }
0x170: {  	v22 =	vmctz.xlane vm5;
	_ =	sdelay $0x1  }
0x171: {  	v22 =	vadd.s32 v20, v22;
	vm5 =	veq.f32 v23, v19  }
0x172: {  	v20 =	vmctz.xlane vm5;
	v25 =	vshra.s32 v22, $0x6;
	v33 =	vand.u32 $0x3F, v22  }
0x173: {  	vm7 =	veq.s32 v22, $0xE38;
	v24 =	vadd.s32 v9, v25;
	v26 =	vadd.s32 v10, v33  }
0x174: {  	v23 =	vadd.s32 v21, v20;
	v20 =	vor.u32 v24, v26;
	v21 =	vadd.s32 v11, v22  }
0x175: {  	v27 =	vshra.s32 v23, $0x6;
	v34 =	vand.u32 $0x3F, v23;
	vm5 =	vlt.u32 v20, $0x40  }
0x176: {  	vm5 =	vmand vm5, vm0;
	v20 =	vadd.s32 v9, v27;
	v24 =	vadd.s32 v10, v34  }
0x177: {  	v20 =	vor.u32 v20, v24;
	v26 =	vsel vm5, v21, v22;
	v21 =	vadd.s32 v11, v23  }
0x178: {  	vm6 =	vlt.u32 v20, $0x40;
	v20 =	vshra.s32 v26, $0x6;
	v24 =	vand.u32 $0x3F, v26  }
0x179: {  	vm6 =	vmand vm6, vm0;
	v20 =	vadd.s32 $0xFFFFFFC8, v20;
	v24 =	vadd.s32 $0xFFFFFFC8, v24  }
0x17a: {  	v28 =	vsel vm6, v21, v23;
	v21 =	vsub.s32 $0x0, v20;
	v29 =	vsub.s32 $0x0, v24  }
0x17b: {  	v20 =	vmin.u32 v20, v21;
	v21 =	vmin.u32 v24, v29;
	v24 =	vshra.s32 v28, $0x6  }
0x17c: {  	v20 =	vcvt.s32.f32 v20;
	v21 =	vcvt.s32.f32 v21;
	v24 =	vadd.s32 $0xFFFFFFC8, v24  }
0x17d: {  	vm8 =	veq.s32 v23, $0xE38;
	v29 =	vand.u32 $0x3F, v28;
	v30 =	vsub.s32 $0x0, v24  }
0x17e: {  	v32 =	vadd.s32 $0xFFFFFFC8, v29;
	v31 =	vmul.f32 v20, v20;
	v24 =	vmin.u32 v24, v30  }
0x17f: {  	v36 =	vsub.s32 $0x0, v32;
	v35 =	vmul.f32 v21, v21;
	v24 =	vcvt.s32.f32 v24  }
0x180: {  	v29 =	vadd.f32 v21, v20;
	v30 =	vmin.f32 v20, v21;
	v20 =	vmin.u32 v32, v36  }
0x181: {  	v36 =	vnsel vm8, $0xBF800000, v19;
	v19 =	vcvt.s32.f32 v20;
	v32 =	vadd.f32 v35, v31  }
0x182: {  	v35 =	vnsel vm7, $0xBF800000, v18;
	vm7 =	vgt.s32 v27, $0x1;
	v18 =	vmul.f32 v24, v24  }
0x183: {  	v31 =	vadd.f32 v19, v24;
	v21 =	vmul.f32 v19, v19;
	v20 =	vshrl.u32 v32, $0x1  }
0x184: {  	v38 =	vmin.f32 v24, v19;
	v19 =	vnsel vm7, $0x1, v27;
	v37 =	vadd.s32 $0x1FBD1DF5, v20  }
0x185: {  	v39 =	vadd.f32 v21, v18;
	v18 =	vshll.u32 v19, $0x2;
	(erf) = vrcp.f32 v37  }
0x186: {  	vm8 =	vlt.s32 v27, $0x3E;
	vm7 =	vgt.s32 v25, $0x1;
	v20 =	vadd.s32 $0xFFFFFFFC, v18  }
0x187: {  	v19 =	vnsel vm7, $0x1, v25;
	v18 =	vshrl.u32 v39, $0x1;
	v24 =	vand.u32 $0xFFFFFFF0, v20  }
0x188: {  	v40 =	vadd.s32 $0x1FBD1DF5, v18;
	v18 =	vshll.u32 v19, $0x2;
	v19 =	vmin.u32 v34, $0x3E  }
0x189: {  	v21 =	vadd.s32 $0xFFFFFFFC, v18;
	v18 =	vadd.s32 $0x1, v19;
	(erf) = vrcp.f32 v40  }
0x18a: {  	v19 =	vnsel vm8, $0x3E, v27;
	v18 =	vshrl.u32 v18, $0x4;
	v27 =	vand.u32 $0xFFFFFFF0, v21  }
0x18b: {  	v33 =	vmin.u32 v33, $0x3E;
	vm7 =	vlt.s32 v25, $0x3E;
	v19 =	vshll.u32 v19, $0x2  }
0x18c: {  	v33 =	vadd.s32 $0x1, v33;
	v34 =	vnsel vm7, $0x3E, v25;
	v18 =	vadd.s32 v18, v19  }
0x18d: {  	v19 =	vshrl.u32 v33, $0x4;
	v33 =	vshll.u32 v34, $0x2;
	v18 =	vadd.s32 $0x4, v18  }
0x18e: {  	v19 =	vadd.s32 v19, v33;
	v25 =	vpop (erf)  }
0x18f: {  	v33 =	vmul.f32 v25, v32;
	v25 =	vadd.s32 $0x4, v19  }
0x190: {  	v19 =	vshra.s32 v25, $0x4;
	v25 =	vand.u32 $0xFFFFFFF0, v25  }
0x191: {  	v33 =	vadd.f32 v37, v33  }
0x192: {  	v34 =	vpop (erf)  }
0x193: {  	v33 =	vmul.f32 $5.000000000e-01, v33;
	v34 =	vmul.f32 v34, v39;
	_ =	sdelay $0x1  }
0x194: {  	v34 =	vadd.f32 v40, v34;
	(erf) = vrcp.f32 v33;
	_ =	sdelay $0x1  }
0x195: {  	v34 =	vmul.f32 $5.000000000e-01, v34;
	_ =	sdelay $0x1  }
0x196: {  	(erf) = vrcp.f32 v34;
	_ =	sdelay $0x4  }
0x197: {  	v37 =	vpop (erf)  }
0x198: {  	v40 =	vmul.f32 v37, v32;
	_ =	sdelay $0x1  }
0x199: {  	v33 =	vadd.f32 v40, v33  }
0x19a: {  	v37 =	vpop (erf)  }
0x19b: {  	v33 =	vmul.f32 $5.000000000e-01, v33;
	v37 =	vmul.f32 v37, v39;
	_ =	sdelay $0x1  }
0x19c: {  	v34 =	vadd.f32 v37, v34;
	(erf) = vrcp.f32 v33;
	_ =	sdelay $0x1  }
0x19d: {  	v34 =	vmul.f32 $5.000000000e-01, v34;
	_ =	sdelay $0x1  }
0x19e: {  	(erf) = vrcp.f32 v34;
	_ =	sdelay $0x4  }
0x19f: {  	v37 =	vpop (erf)  }
0x1a0: {  	v37 =	vmul.f32 v37, v32  }
0x1a1: {  	[tilespmem:v22+s22+$0x0] =	vst.idx.msk $0x1, v8  }
0x1a2: {  	[tilespmem:v22+s14+$0x0] =	vst.idx.msk $0x1, v35;
	v33 =	vadd.f32 v37, v33  }
0x1a3: {  	[tilespmem:v23+s23+$0x0] =	vst.idx.msk $0x1, v8;
	v35 =	vpop (erf)  }
0x1a4: {  	[tilespmem:v23+s18+$0x0] =	vst.idx.msk $0x1, v36;
	v33 =	vmul.f32 $5.000000000e-01, v33;
	v35 =	vmul.f32 v35, v39  }
0x1a5: {  	v36 =	vld.idx.msk [tilespmem:v26+s1+$0x0], $0xffff  }
0x1a6: {  	v37 =	vld.idx.msk [tilespmem:v28+s18+$0x0], $0xffff;
	v33 =	vmul.f32 $1.000000050e-03, v33;
	v34 =	vadd.f32 v35, v34  }
0x1a7: {  	v29 =	vsub.f32 v29, v30;
	vm7 =	veq.f32 v32, $0.0e+00;
	v35 =	vld.idx.msk [tilespmem:v22+s15+$0x0], $0xffff  }
0x1a8: {  	v30 =	vsel vm7, $0x0, v33;
	v32 =	vmul.f32 $5.000000000e-01, v34  }
0x1a9: {  	v33 =	vld.idx.msk [tilespmem:v28+s12+$0x0], $0xffff;
	v29 =	vadd.f32 v30, v29  }
0x1aa: {  	v31 =	vsub.f32 v31, v38;
	vm8 =	veq.f32 v39, $0.0e+00;
	v30 =	vld.idx.msk [tilespmem:v23+s19+$0x0], $0xffff;
	v32 =	vmul.f32 $1.000000050e-03, v32  }
0x1ab: {  	v29 =	vadd.f32 v29, v36  }
0x1ac: {  	vm7 =	veq.f32 v37, $0.0e+00;
	v32 =	vsel vm8, $0x0, v32  }
0x1ad: {  	v31 =	vadd.f32 v32, v31;
	v32 =	vmul.f32 $5.000000000e-01, v35;
	v29 =	vmul.f32 $5.000000000e-01, v29  }
0x1ae: {  	v34 =	vadd.f32 v36, v35  }
0x1af: {  	v31 =	vadd.f32 v31, v33;
	v29 =	vadd.f32 v29, v32  }
0x1b0: {  	v32 =	vmul.f32 $5.000000000e-01, v30;
	v30 =	vadd.f32 v33, v30  }
0x1b1: {  	v29 =	vsub.f32 $0.0e+00, v29;
	v31 =	vmul.f32 $5.000000000e-01, v31;
	_ =	sdelay $0x1  }
0x1b2: {  	v33 =	vld.idx.msk [tilespmem:v26+s14+$0x0], $0xffff;
	v29 =	vmul.f32 v29, v12;
	v31 =	vadd.f32 v31, v32;
	_ =	sdelay $0x1  }
0x1b3: {  	v29 =	vmul.f32 $1.442695020e+00, v29;
	v31 =	vsub.f32 $0.0e+00, v31;
	_ =	sdelay $0x1  }
0x1b4: {  	v31 =	vmul.f32 v31, v12  }
0x1b5: {  	(erf) = vpow2.f32 v29  }
0x1b6: {  	vm8 =	veq.f32 v33, $0.0e+00;
	v29 =	vmul.f32 $1.442695020e+00, v31  }
0x1b7: {  	vm5 =	vmand vm5, vm8  }
0x1b8: {  	(erf) = vpow2.f32 v29;
	_ =	sdelay $0x1  }
0x1b9: {  	vm6 =	vmand vm6, vm7;
	_ =	sdelay $0x2  }
0x1ba: {  	[tilespmem:v26+s15+$0x0] =	vst.idx.msk vm5, v34  }
0x1bb: {  	[tilespmem:v26+s24+$0x0] =	vst.idx.msk vm5, v22;
	v22 =	vshra.s32 v26, $0x4;
	v29 =	vpop (erf)  }
0x1bc: {  	[tilespmem:v26+s14+$0x0] =	vst.idx.msk vm5, v29;
	v26 =	vshra.s32 v28, $0x4  }
0x1bd: {  	[tilespmem:v28+s19+$0x0] =	vst.idx.msk vm6, v30  }
0x1be: {  	[tilespmem:v28+s25+$0x0] =	vst.idx.msk vm6, v23;
	v23 =	vpop (erf)  }
0x1bf: {  	[tilespmem:v28+s18+$0x0] =	vst.idx.msk vm6, v23  }
0x1c0: {  	v28 =	vld.idx.msk [tilespmem:v22+s16+$0x0], $0xffff  }
0x1c1: {  	vm7 =	vmand vm5, vm1;
	v30 =	vld.idx.msk [tilespmem:v26+s20+$0x0], $0xffff  }
0x1c2: {  	vm8 =	vmand vm6, vm1;
	_ =	sdelay $0x3  }
0x1c3: {  	v28 =	vmax.f32 v28, v29  }
0x1c4: {  	[tilespmem:v22+s16+$0x0] =	vst.idx.msk vm7, v28;
	v28 =	vmax.f32 v30, v23  }
0x1c5: {  	[tilespmem:v26+s20+$0x0] =	vst.idx.msk vm8, v28  }
0x1c6: {  	v28 =	vld.idx.msk [tilespmem:v22+s16+$0x0], $0xffff  }
0x1c7: {  	vm7 =	vmand vm5, vm2;
	v30 =	vld.idx.msk [tilespmem:v26+s20+$0x0], $0xffff  }
0x1c8: {  	vm8 =	vmand vm6, vm2;
	_ =	sdelay $0x3  }
0x1c9: {  	v28 =	vmax.f32 v28, v29  }
0x1ca: {  	[tilespmem:v22+s16+$0x0] =	vst.idx.msk vm7, v28;
	v28 =	vmax.f32 v30, v23  }
0x1cb: {  	[tilespmem:v26+s20+$0x0] =	vst.idx.msk vm8, v28  }
0x1cc: {  	v28 =	vld.idx.msk [tilespmem:v22+s16+$0x0], $0xffff  }
0x1cd: {  	vm5 =	vmand vm5, vm3;
	v30 =	vld.idx.msk [tilespmem:v26+s20+$0x0], $0xffff  }
0x1ce: {  	vm6 =	vmand vm6, vm3;
	_ =	sdelay $0x3  }
0x1cf: {  	v28 =	vmax.f32 v28, v29  }
0x1d0: {  	[tilespmem:v22+s16+$0x0] =	vst.idx.msk vm5, v28;
	v22 =	vmax.f32 v30, v23  }
0x1d1: {  	[tilespmem:v26+s20+$0x0] =	vst.idx.msk vm6, v22  }
0x1d2: {  	v16 =	vld.idx.msk [tilespmem:v16+s14+$0x0], $0xffff  }
0x1d3: {  	v17 =	vld.idx.msk [tilespmem:v17+s18+$0x0], $0xffff;
	_ =	sdelay $0x4  }
0x1d4: {  	(xrf0) =	vmax.scan.msk.f32 $0xffff, v16  }
0x1d5: {  	(xrf0) =	vmax.scan.msk.f32 $0xffff, v17;
	_ =	sdelay $0x2  }
0x1d6: {  	v16 =	vor.u32 v7, v27  }
0x1d7: {  	v17 =	vor.u32 v7, v24  }
0x1d8: {  	v22, _, _ =	vpop (xrf0)  }
0x1d9: {  	[tilespmem:v14+s16+$0x0] =	vst.idx.msk vm4, v22;
	v14, _, _ =	vpop (xrf0)  }
0x1da: {  	[tilespmem:v15+s20+$0x0] =	vst.idx.msk vm4, v14  }
0x1db: {  	v14 =	vld.idx.msk [tilespmem:v16+s16+$0x0], $0xffff  }
0x1dc: {  	v15 =	vld.idx.msk [tilespmem:v17+s20+$0x0], $0xffff;
	_ =	sdelay $0x4  }
0x1dd: {  	(xrf0) =	vmax.scan.msk.f32 $0xffff, v14  }
0x1de: {  	(xrf0) =	vmax.scan.msk.f32 $0xffff, v15  }
0x1df: {  	v14 =	vshrl.u32 v21, $0x4  }
0x1e0: {  	v15 =	vshrl.u32 v20, $0x4  }
0x1e1: {  	v16 =	vor.u32 v7, v25;
	v17 =	vand.u32 $0xFFFFFFF0, v18  }
0x1e2: {  	v17 =	vor.u32 v7, v17  }
0x1e3: {  	v20, _, _ =	vpop (xrf0)  }
0x1e4: {  	[tilespmem:v14+s17+$0x0] =	vst.idx.msk vm4, v20;
	v14, _, _ =	vpop (xrf0)  }
0x1e5: {  	[tilespmem:v15+s21+$0x0] =	vst.idx.msk vm4, v14  }
0x1e6: {  	v14 =	vld.idx.msk [tilespmem:v16+s16+$0x0], $0xffff  }
0x1e7: {  	v15 =	vld.idx.msk [tilespmem:v17+s20+$0x0], $0xffff;
	_ =	sdelay $0x1  }
.Ltmp1:
0x1e8: {  	(pc) =	sbr.rel @p0 .LBB2_4-.Ltmp1, $3  }
0x1e9: {  	_ =	sdelay $0x1  }
0x1ea: {  	(xrf0) =	vmax.scan.msk.f32 $0xffff, v14  }
0x1eb: {  	(xrf0) =	vmax.scan.msk.f32 $0xffff, v15  }
0x1ec: {  	_ = 	snop  }
0x1ed: {  	v14 =	vshra.s32 v18, $0x4;
	_ =	sdelay $0x2  }
0x1ee: {  	v15, _, _ =	vpop (xrf0)  }
0x1ef: {  	[tilespmem:v19+s17+$0x0] =	vst.idx.msk vm4, v15;
	v15, _, _ =	vpop (xrf0)  }
0x1f0: {  	[tilespmem:v14+s21+$0x0] =	vst.idx.msk vm4, v15  }
0x1f1: {  	[tilespmem:v3+s26+$0x0] =	vst.idx.msk $0x1, v13  }
0x1f2: {  	[tilespmem:v3+s28+$0x0] =	vst.idx.msk $0x1, v13  }
0x1f3: {  	v14 =	vld.idx.msk [tilespmem:v3+s24+$0x0], $0xffff  }
0x1f4: {  	s30 =	simm.s32 $0xCC;
	v15 =	vld.idx.msk [tilespmem:v3+s25+$0x0], $0xffff  }
.LBB2_6:
0x1f5: {  	_ =	sdelay $0x2  }
0x1f6: {  	p0 =	sne.s32 s30, $0x1  }
.Ltmp2:
0x1f7: {  	_ = 	snop;
	(pc) =	sbr.rel @p0 .LBB2_6-.Ltmp2, $4  }
0x1f8: {  	_ = 	snop  }
0x1f9: {  	[tilespmem:v14+s26+$0x0] =	vst.idx.msk $0x1, v13  }
0x1fa: {  	v14 =	vld.idx.msk [tilespmem:v14+s24+$0x0], $0xffff;
	[tilespmem:v15+s28+$0x0] =	vst.idx.msk $0x1, v13  }
0x1fb: {  	s30 =	sadd.s32 $0xFFFFFFFF, s30;
	v15 =	vld.idx.msk [tilespmem:v15+s25+$0x0], $0xffff  }
0x1fc: {  	[hbm4b:s5+s10] =	stream.strided.scatter [tilespmem:s22], [sflag:$0x1], $0x1000, s11, s10, $0x38;
	[tilespmem:$0xC300] =	vst v63  }
0x1fd: {  	_ = 	snop  }
0x1fe: {  	[hbm4b:s6+s10] =	stream.strided.scatter [tilespmem:s26], [sflag:$0x1], $0x1000, s11, s10, $0x38;
	[tilespmem:$0xC300] =	vst v63  }
0x1ff: {  	_ = 	snop  }
0x200: {  	[hbm4b:s7+s10] =	stream.strided.scatter [tilespmem:s23], [sflag:$0x1], $0x1000, s11, s10, $0x38;
	[tilespmem:$0xC300] =	vst v63  }
0x201: {  	_ = 	snop  }
0x202: {  	[hbm4b:s8+s10] =	stream.strided.scatter [tilespmem:s28], [sflag:$0x1], $0x1000, s11, s10, $0x38;
	[tilespmem:$0xC300] =	vst v63  }
0x203: {  	_ =	swait.ge [sflag:s13], $0x1000  }
0x204: {  	[sflag:s13] =	ssyncset.done $0x0  }
0x205: {  	[sflag:s13] =	ssyncadd.s32 $0xFFFFF000  }
0x206: {  	_ =	swait.ge [sflag:s13], $0x1000  }
0x207: {  	[sflag:s13] =	ssyncset.done $0x0  }
0x208: {  	s29 =	sadd.s32 $0x1, s29;
	[sflag:s13] =	ssyncadd.s32 $0xFFFFF000  }
0x209: {  	p0 =	sne.s32 s29, s9;
	_ =	swait.ge [sflag:s13], $0x1000  }
.Ltmp3:
0x20a: {  	[sflag:s13] =	ssyncset.done $0x0;
	(pc) =	sbr.rel @p0 .LBB2_1-.Ltmp3, $4  }
0x20b: {  	[sflag:s13] =	ssyncadd.s32 $0xFFFFF000  }
0x20c: {  	_ =	swait.ge [sflag:s13], $0x1000  }
0x20d: {  	[sflag:s13] =	ssyncset.done $0x0  }
0x20e: {  	[sflag:s13] =	ssyncadd.s32 $0xFFFFF000  }
0x20f: {  	_ =	sfence.sel $0x180000  }
0x210: {  	[bflag:$0x0] =	sbarrier.arrive $0xFFFF  }
0x211: {  	p0 =	sne.s32 s2, $0x0;
	_ =	strace $0x90000047  }
0x212: {  	s0 =	sadd.s32 @!p0 $0x100000, s0;
	[bflag:$0x2] =	sbarrier.arrive $0xFFFF  }
0x213: {  	[sflag:s0] =	ssyncadd.tile.s32 @!p0 $0x1;
	_ =	shalt  }
.Lfunc_end2:
_tile_overlayer_lowered:
.L_overlay_start_2:
0x214: {  	(tag) =	ssettag $0x2  }
0x215: {  	s0 =	rddreg [dreg:$0x0];
	s2 =	stileid.u32  }
0x216: {  	s1 =	rddreg [dreg:$0x1];
	p0 =	sne.s32 s2, $0x0  }
0x217: {  	s3 =	rddreg [dreg:$0x2];
	[bflag:$0x3] =	sbarrier.arrive $0xFFFF;
	s2 =	simm.s32 @!p0 $0x1C02  }
0x218: {  	[timem:s3], [sflag:s2] =	dma.local @!p0 [hbm:s0], s1  }
0x219: {  	s0 =	simm.s32 @!p0 $0x2  }
0x21a: {  	_ =	swait.ge @!p0 [sflag:s0], s1  }
0x21b: {  	s1 =	ssub.s32 @!p0 $0x0, s1;
	[sflag:s0] =	ssyncset.done @!p0 $0x0  }
0x21c: {  	[sflag:s0] =	ssyncadd.s32 @!p0 s1  }
0x21d: {  	[bflag:$0x3] =	sbarrier.arrive $0xFFFF  }
0x21e: {  	_ =	shalt  }

</sc_bundles>
